<compile_context>
chip_gen: v7x
topology: tpu7x:2x2x1
jax: 0.10.2.dev20260603
libtpu: 0.0.44.dev20260713+nightly
codegen_flags: <defaults>
</compile_context>

<pallas_src>
import functools

import jax
import jax.numpy as jnp
from jax import lax
from jax.experimental import pallas as pl
from jax.experimental.pallas import tpu as pltpu
from jax.experimental.pallas import tpu_sc as plsc

N = 200000
M = N // 400
L = 16
NC = 2
NS = 16
NW = NC * NS
P = 6272
NV = P // L
UNROLL = 4
NPAD = NW * P
RW = 2 * L
OUT_PAD = 512

F32 = jnp.float32
I32 = jnp.int32
POS_INF = float("inf")
NEG_INF = float("-inf")
SENT_IDX = 1_000_000_000


def _splat_f(x):
    return jnp.full((L,), x, dtype=F32)


def _splat_i(x):
    return jnp.full((L,), x, dtype=I32)


_mesh = plsc.VectorSubcoreMesh(core_axis_name="c", subcore_axis_name="s")


@functools.partial(
    pl.kernel,
    out_type=jax.ShapeDtypeStruct((OUT_PAD,), I32),
    mesh=_mesh,
    scratch_types=[
        pltpu.VMEM((P,), F32),
        pltpu.VMEM((P,), F32),
        pltpu.VMEM((P,), F32),
        pltpu.VMEM((P,), F32),
        pltpu.VMEM((L,), F32),
        pltpu.VMEM((NW, RW), F32),
        pltpu.VMEM((OUT_PAD,), I32),
        pltpu.HBM((NW, RW), F32),
        pltpu.HBM((NW, RW), F32),
        pltpu.SemaphoreType.DMA,
    ],
    compiler_params=pltpu.CompilerParams(needs_layout_passes=False),
)
def _fps_sc(pt_hbm, out_hbm, px, py, pz, dists, stage, rows, outb, ex0, ex1,
            psem):
    w = lax.axis_index("c") * NS + lax.axis_index("s")
    base = w * P
    iota = lax.iota(I32, L)
    neg = _splat_f(NEG_INF)

    pltpu.sync_copy(pt_hbm.at[pl.ds(0 * NPAD + base, P)], px)
    pltpu.sync_copy(pt_hbm.at[pl.ds(1 * NPAD + base, P)], py)
    pltpu.sync_copy(pt_hbm.at[pl.ds(2 * NPAD + base, P)], pz)

    def _init(j, c):
        gi = _splat_i(base + j * L) + iota
        dists[pl.ds(j * L, L)] = jnp.where(gi < _splat_i(N), _splat_f(POS_INF),
                                           neg)
        return c

    lax.fori_loop(0, NV, _init, 0)

    def publish(buf, tag, val, idx, cx, cy, cz):
        vec = _splat_f(cx)
        vec = jnp.where(iota == _splat_i(1), _splat_f(cy), vec)
        vec = jnp.where(iota == _splat_i(2), _splat_f(cz), vec)
        vec = jnp.where(iota == _splat_i(3), _splat_f(val), vec)
        vec = jnp.where(iota == _splat_i(4), _splat_f(idx.astype(F32)), vec)
        vec = jnp.where(iota == _splat_i(5), _splat_f(tag.astype(F32)), vec)
        stage[...] = vec

        @pl.when(buf == 0)
        def _pub0():
            pltpu.async_copy(stage, ex0.at[w, pl.ds(0, L)], psem)

        @pl.when(buf == 1)
        def _pub1():
            pltpu.async_copy(stage, ex1.at[w, pl.ds(0, L)], psem)

    def drain_publish():
        pltpu.make_async_copy(stage, ex0.at[w, pl.ds(0, L)], psem).wait()

    def winner(buf, tag):
        tgt = _splat_f(tag.astype(F32))

        def _cond(ok):
            return jnp.logical_not(ok)

        def _body(ok):
            @pl.when(buf == 0)
            def _rd0():
                pltpu.sync_copy(ex0, rows)

            @pl.when(buf == 1)
            def _rd1():
                pltpu.sync_copy(ex1, rows)

            t1 = plsc.load_gather(rows, [iota, _splat_i(5)])
            t2 = plsc.load_gather(rows, [iota + _splat_i(NS), _splat_i(5)])
            return jnp.all((t1 == tgt) & (t2 == tgt))

        lax.while_loop(_cond, _body, jnp.full((), False))
        drain_publish()

        io2 = iota + _splat_i(NS)
        v1 = plsc.load_gather(rows, [iota, _splat_i(3)])
        v2 = plsc.load_gather(rows, [io2, _splat_i(3)])
        i1 = plsc.load_gather(rows, [iota, _splat_i(4)]).astype(I32)
        i2 = plsc.load_gather(rows, [io2, _splat_i(4)]).astype(I32)
        gm = jnp.max(jnp.maximum(v1, v2))
        gmv = _splat_f(gm)
        c1 = jnp.where(v1 == gmv, i1, _splat_i(SENT_IDX))
        c2 = jnp.where(v2 == gmv, i2, _splat_i(SENT_IDX))
        gidx = jnp.min(jnp.minimum(c1, c2))
        m1 = c1 == _splat_i(gidx)
        m2 = c2 == _splat_i(gidx)

        def pick(col):
            a = jnp.where(m1, plsc.load_gather(rows, [iota, _splat_i(col)]), neg)
            b = jnp.where(m2, plsc.load_gather(rows, [io2, _splat_i(col)]), neg)
            return jnp.max(jnp.maximum(a, b))

        return gidx, pick(0), pick(1), pick(2)

    def scan(qx, qy, qz):
        qxv = _splat_f(qx)
        qyv = _splat_f(qy)
        qzv = _splat_f(qz)

        def body(j, carry):
            maxv, maxi = carry
            for u in range(UNROLL):
                sl = pl.ds((j * UNROLL + u) * L, L)
                dx = px[sl] - qxv
                dy = py[sl] - qyv
                dz = pz[sl] - qzv
                t = dx * dx + dy * dy + dz * dz
                nd = jnp.minimum(dists[sl], t)
                dists[sl] = nd
                gi = _splat_i(base + (j * UNROLL + u) * L) + iota
                upd = nd > maxv
                maxv = jnp.where(upd, nd, maxv)
                maxi = jnp.where(upd, gi, maxi)
            return maxv, maxi

        maxv, maxi = lax.fori_loop(
            0, NV // UNROLL, body, (_splat_f(NEG_INF), _splat_i(0))
        )
        lm = jnp.max(maxv)
        lcand = jnp.where(maxv == _splat_f(lm), maxi, _splat_i(SENT_IDX))
        li = jnp.min(lcand)
        iv = _splat_i(li - base)
        cx = jnp.max(plsc.load_gather(px, [iv]))
        cy = jnp.max(plsc.load_gather(py, [iv]))
        cz = jnp.max(plsc.load_gather(pz, [iv]))
        return lm, li, cx, cy, cz

    lane0 = iota == _splat_i(0)
    sx = jnp.max(jnp.where(lane0, px[pl.ds(0, L)], neg))
    sy = jnp.max(jnp.where(lane0, py[pl.ds(0, L)], neg))
    sz = jnp.max(jnp.where(lane0, pz[pl.ds(0, L)], neg))
    is0 = w == 0
    publish(jnp.int32(0), jnp.int32(1), jnp.where(is0, POS_INF, NEG_INF),
            jnp.where(is0, 0, SENT_IDX).astype(I32), sx, sy, sz)

    def step(i, acc):
        buf = lax.rem(i, 2)
        gidx, qx, qy, qz = winner(buf, i + 1)
        pos = lax.rem(i, L)
        acc = jnp.where(iota == _splat_i(pos), _splat_i(gidx), acc)

        @pl.when(pos == L - 1)
        def _flush():
            outb[pl.ds((i // L) * L, L)] = acc

        lv, li, cx, cy, cz = scan(qx, qy, qz)
        publish(lax.rem(i + 1, 2), i + 2, lv, li, cx, cy, cz)
        return acc

    acc = lax.fori_loop(0, M - 1, step, _splat_i(0))

    gidx, _, _, _ = winner((M - 1) % 2, jnp.int32(M))
    acc = jnp.where(iota == _splat_i((M - 1) % L), _splat_i(gidx), acc)
    outb[pl.ds(((M - 1) // L) * L, L)] = acc

    publish(jnp.int32((M - 1) % 2 ^ 1), jnp.int32(M + 1),
            jnp.float32(NEG_INF), jnp.int32(SENT_IDX),
            jnp.float32(0), jnp.float32(0), jnp.float32(0))
    drain_publish()

    @pl.when(w == 0)
    def _out():
        pltpu.sync_copy(outb, out_hbm)


def kernel(feats):
    p = feats[:, :3]
    pt = jnp.pad(jnp.transpose(p), ((0, 0), (0, NPAD - N)))
    out = _fps_sc(jnp.reshape(pt, (3 * NPAD,)))
    return out[:M]

# --- scband reference (transcript-rebuilt; emitter-appended) ---
"""Pipeline reference for scband-fps-74457553043647 (READ-ONLY COPY).

The authoritative reference and input builder live on the scoring server;
editing this copy changes nothing except your own understanding.
"""

import jax, jax.numpy as jnp
import numpy as np

STRIDE = 400


def _fps(p, m):
    # Furthest point sampling: start at index 0, iteratively pick the point
    # with the maximum distance to the already-selected set.
    n = p.shape[0]

    def step(carry, _):
        dists, last = carry
        d = jnp.sum((p - p[last]) ** 2, axis=1)
        dists = jnp.minimum(dists, d)
        nxt = jax.lax.stop_gradient(jnp.argmax(dists)).astype(jnp.int32)
        return (dists, nxt), nxt

    init = (jnp.full((n,), jnp.inf, dtype=p.dtype), jnp.array(0, dtype=jnp.int32))
    _, rest = jax.lax.scan(step, init, None, length=m - 1)
    return jnp.concatenate([jnp.zeros((1,), dtype=jnp.int32), rest.astype(jnp.int32)])


def setup_inputs(seed: int = 0) -> dict:
    key = jax.random.key(seed)
    feats = jax.random.normal(key, (200000, 6), dtype=jnp.float32)
    return {"feats": feats}


def reference(feats):
    # p = feats[:, :3]; x = feats[:, 3:] (x unused by furthestsampling)
    p = feats[:, :3]
    # single batch: o = [N]; n_o = [N // stride]
    m = feats.shape[0] // STRIDE
    idx = _fps(p, m)
    return idx

if __name__ == "__main__":
    import jax
    _d = setup_inputs()
    print(jax.jit(kernel)(*tuple(_d.values())))

</pallas_src>

<mosaic_0001>
#map = affine_map<(d0, d1) -> (0)>
module attributes {stable_mosaic.version = 14 : i64} {
  func.func @_fps_sc(%arg0: i32, %arg1: i32, %arg2: memref<602112xf32, #tpu.memory_space<hbm>>, %arg3: memref<512xi32, #tpu.memory_space<hbm>>, %arg4: memref<6272xf32, #tpu.memory_space<vmem>>, %arg5: memref<6272xf32, #tpu.memory_space<vmem>>, %arg6: memref<6272xf32, #tpu.memory_space<vmem>>, %arg7: memref<6272xf32, #tpu.memory_space<vmem>>, %arg8: memref<16xf32, #tpu.memory_space<vmem>>, %arg9: memref<32x32xf32, #tpu.memory_space<vmem>>, %arg10: memref<512xi32, #tpu.memory_space<vmem>>, %arg11: memref<32x32xf32, #tpu.memory_space<hbm>>, %arg12: memref<32x32xf32, #tpu.memory_space<hbm>>, %arg13: memref<!tpu.dma_semaphore, #tpu.memory_space<semaphore_mem>>) attributes {dimension_semantics = [#tpu.dimension_semantics<core_parallel>, #tpu.dimension_semantics<subcore_parallel>], iteration_bounds = array<i64: 2, 16>, scalar_prefetch = 0 : i64, scratch_operands = 10 : i64, tpu.core_type = #tpu.core_type<sc_vector_subcore>, window_params = [{transform_indices = #map}, {transform_indices = #map}]} {
    %mul3A = arith.constant 16 : i32
    %mul3A_0 = arith.muli %arg0, %mul3A : i32
    %add3A = arith.addi %mul3A_0, %arg1 : i32
    %mul3A_1 = arith.constant 6272 : i32
    %mul3A_2 = arith.muli %add3A, %mul3A_1 : i32
    %iota3A = tpu.iota {dimensions = array<i32: 0>} : vector<16xi32>
    %broadcast_in_dim3A = arith.constant 0xFF800000 : f32
    %broadcast_in_dim3A_3 = vector.broadcast %broadcast_in_dim3A : f32 to vector<16xf32>
    %add3A_4 = arith.constant 0 : i32
    %add3A_5 = arith.addi %add3A_4, %mul3A_2 : i32
    "tpu.region"() ({
      %run_scoped3A = tpu.sem_alloc : memref<!tpu.dma_semaphore, #tpu.memory_space<semaphore_mem>>
      %dma_start3A = tpu.memref_slice %arg2[%add3A_5] : memref<602112xf32, #tpu.memory_space<hbm>> -> memref<6272xf32, #tpu.memory_space<hbm>>
      %dma_start3A_240 = tpu.memref_slice %arg2[%add3A_5] : memref<602112xf32, #tpu.memory_space<hbm>> -> memref<6272xf32, #tpu.memory_space<hbm>>
      tpu.enqueue_dma source(%dma_start3A_240 : memref<6272xf32, #tpu.memory_space<hbm>>) target(%arg4 : memref<6272xf32, #tpu.memory_space<vmem>>) target_semaphore(%run_scoped3A : memref<!tpu.dma_semaphore, #tpu.memory_space<semaphore_mem>>)
      %dma_wait3A_241 = tpu.memref_slice %arg2[%add3A_5] : memref<602112xf32, #tpu.memory_space<hbm>> -> memref<6272xf32, #tpu.memory_space<hbm>>
      %dma_wait3A_242 = tpu.memref_slice %arg2[%add3A_5] : memref<602112xf32, #tpu.memory_space<hbm>> -> memref<6272xf32, #tpu.memory_space<hbm>>
      tpu.wait_dma2 semaphore(%run_scoped3A : memref<!tpu.dma_semaphore, #tpu.memory_space<semaphore_mem>>) src(%dma_wait3A_242 : memref<6272xf32, #tpu.memory_space<hbm>>) dst(%arg4 : memref<6272xf32, #tpu.memory_space<vmem>>)
      tpu.yield
    }) : () -> ()
    %add3A_6 = arith.constant 200704 : i32
    %add3A_7 = arith.addi %add3A_6, %mul3A_2 : i32
    "tpu.region"() ({
      %run_scoped3A = tpu.sem_alloc : memref<!tpu.dma_semaphore, #tpu.memory_space<semaphore_mem>>
      %dma_start3A = tpu.memref_slice %arg2[%add3A_7] : memref<602112xf32, #tpu.memory_space<hbm>> -> memref<6272xf32, #tpu.memory_space<hbm>>
      %dma_start3A_240 = tpu.memref_slice %arg2[%add3A_7] : memref<602112xf32, #tpu.memory_space<hbm>> -> memref<6272xf32, #tpu.memory_space<hbm>>
      tpu.enqueue_dma source(%dma_start3A_240 : memref<6272xf32, #tpu.memory_space<hbm>>) target(%arg5 : memref<6272xf32, #tpu.memory_space<vmem>>) target_semaphore(%run_scoped3A : memref<!tpu.dma_semaphore, #tpu.memory_space<semaphore_mem>>)
      %dma_wait3A_241 = tpu.memref_slice %arg2[%add3A_7] : memref<602112xf32, #tpu.memory_space<hbm>> -> memref<6272xf32, #tpu.memory_space<hbm>>
      %dma_wait3A_242 = tpu.memref_slice %arg2[%add3A_7] : memref<602112xf32, #tpu.memory_space<hbm>> -> memref<6272xf32, #tpu.memory_space<hbm>>
      tpu.wait_dma2 semaphore(%run_scoped3A : memref<!tpu.dma_semaphore, #tpu.memory_space<semaphore_mem>>) src(%dma_wait3A_242 : memref<6272xf32, #tpu.memory_space<hbm>>) dst(%arg5 : memref<6272xf32, #tpu.memory_space<vmem>>)
      tpu.yield
    }) : () -> ()
    %add3A_8 = arith.constant 401408 : i32
    %add3A_9 = arith.addi %add3A_8, %mul3A_2 : i32
    "tpu.region"() ({
      %run_scoped3A = tpu.sem_alloc : memref<!tpu.dma_semaphore, #tpu.memory_space<semaphore_mem>>
      %dma_start3A = tpu.memref_slice %arg2[%add3A_9] : memref<602112xf32, #tpu.memory_space<hbm>> -> memref<6272xf32, #tpu.memory_space<hbm>>
      %dma_start3A_240 = tpu.memref_slice %arg2[%add3A_9] : memref<602112xf32, #tpu.memory_space<hbm>> -> memref<6272xf32, #tpu.memory_space<hbm>>
      tpu.enqueue_dma source(%dma_start3A_240 : memref<6272xf32, #tpu.memory_space<hbm>>) target(%arg6 : memref<6272xf32, #tpu.memory_space<vmem>>) target_semaphore(%run_scoped3A : memref<!tpu.dma_semaphore, #tpu.memory_space<semaphore_mem>>)
      %dma_wait3A_241 = tpu.memref_slice %arg2[%add3A_9] : memref<602112xf32, #tpu.memory_space<hbm>> -> memref<6272xf32, #tpu.memory_space<hbm>>
      %dma_wait3A_242 = tpu.memref_slice %arg2[%add3A_9] : memref<602112xf32, #tpu.memory_space<hbm>> -> memref<6272xf32, #tpu.memory_space<hbm>>
      tpu.wait_dma2 semaphore(%run_scoped3A : memref<!tpu.dma_semaphore, #tpu.memory_space<semaphore_mem>>) src(%dma_wait3A_242 : memref<6272xf32, #tpu.memory_space<hbm>>) dst(%arg6 : memref<6272xf32, #tpu.memory_space<vmem>>)
      tpu.yield
    }) : () -> ()
    %scan3A = arith.constant 0 : i32
    %scan3A_10 = arith.constant 0 : i32
    %scan3A_11 = arith.constant 392 : i32
    %scan3A_12 = arith.addi %scan3A_10, %scan3A_11 : i32
    %scan3A_13 = arith.constant 1 : i32
    scf.for %scan3A_240 = %scan3A_10 to %scan3A_12 step %scan3A_13  : i32 {
      %mul3A_241 = arith.constant 16 : i32
      %mul3A_242 = arith.muli %scan3A_240, %mul3A_241 : i32
      %add3A_243 = arith.addi %mul3A_2, %mul3A_242 : i32
      %broadcast_in_dim3A_244 = vector.broadcast %add3A_243 : i32 to vector<16xi32>
      %add3A_245 = arith.addi %broadcast_in_dim3A_244, %iota3A : vector<16xi32>
      %broadcast_in_dim3A_246 = arith.constant 200000 : i32
      %broadcast_in_dim3A_247 = vector.broadcast %broadcast_in_dim3A_246 : i32 to vector<16xi32>
      %lt3A = arith.cmpi slt, %add3A_245, %broadcast_in_dim3A_247 : vector<16xi32>
      %broadcast_in_dim3A_248 = arith.constant 0x7F800000 : f32
      %broadcast_in_dim3A_249 = vector.broadcast %broadcast_in_dim3A_248 : f32 to vector<16xf32>
      %select_n3A_250 = arith.select %lt3A, %broadcast_in_dim3A_249, %broadcast_in_dim3A_3 : vector<16xi1>, vector<16xf32>
      %mul3A_251 = arith.constant 16 : i32
      %mul3A_252 = arith.muli %scan3A_240, %mul3A_251 : i32
      %swap3A_253 = arith.index_cast %mul3A_252 : i32 to index
      %swap3A_254 = tpu.vector_load %arg7[%swap3A_253] {strides = array<i32>} : memref<6272xf32, #tpu.memory_space<vmem>>, vector<16xf32>,
      tpu.vector_store %arg7[%swap3A_253], %select_n3A_250 {strides = array<i32>} : memref<6272xf32, #tpu.memory_space<vmem>>, vector<16xf32>,
    }
    %scan3A_14 = arith.constant 392 : i32
    %broadcast_in_dim3A_15 = arith.constant 0 : i32
    %broadcast_in_dim3A_16 = vector.broadcast %broadcast_in_dim3A_15 : i32 to vector<16xi32>
    %eq3A = arith.cmpi eq, %iota3A, %broadcast_in_dim3A_16 : vector<16xi32>
    %get3A = arith.constant 0 : index
    %get3A_17 = tpu.vector_load %arg4[%get3A] {strides = array<i32>} : memref<6272xf32, #tpu.memory_space<vmem>>, vector<16xf32>,
    %select_n3A = arith.select %eq3A, %get3A_17, %broadcast_in_dim3A_3 : vector<16xi1>, vector<16xf32>
    %reduce_max3A = arith.constant true
    %reduce_max3A_18 = vector.broadcast %reduce_max3A : i1 to vector<16xi1>
    %reduce_max3A_19 = tpu.scan <max>, %select_n3A masked %reduce_max3A_18 : vector<16xf32>, vector<16xi1> -> vector<16xf32>
    %reduce_max3A_20 = vector.extract %reduce_max3A_19[15] : f32 from vector<16xf32>
    %get3A_21 = arith.constant 0 : index
    %get3A_22 = tpu.vector_load %arg5[%get3A_21] {strides = array<i32>} : memref<6272xf32, #tpu.memory_space<vmem>>, vector<16xf32>,
    %select_n3A_23 = arith.select %eq3A, %get3A_22, %broadcast_in_dim3A_3 : vector<16xi1>, vector<16xf32>
    %reduce_max3A_24 = arith.constant true
    %reduce_max3A_25 = vector.broadcast %reduce_max3A_24 : i1 to vector<16xi1>
    %reduce_max3A_26 = tpu.scan <max>, %select_n3A_23 masked %reduce_max3A_25 : vector<16xf32>, vector<16xi1> -> vector<16xf32>
    %reduce_max3A_27 = vector.extract %reduce_max3A_26[15] : f32 from vector<16xf32>
    %get3A_28 = arith.constant 0 : index
    %get3A_29 = tpu.vector_load %arg6[%get3A_28] {strides = array<i32>} : memref<6272xf32, #tpu.memory_space<vmem>>, vector<16xf32>,
    %select_n3A_30 = arith.select %eq3A, %get3A_29, %broadcast_in_dim3A_3 : vector<16xi1>, vector<16xf32>
    %reduce_max3A_31 = arith.constant true
    %reduce_max3A_32 = vector.broadcast %reduce_max3A_31 : i1 to vector<16xi1>
    %reduce_max3A_33 = tpu.scan <max>, %select_n3A_30 masked %reduce_max3A_32 : vector<16xf32>, vector<16xi1> -> vector<16xf32>
    %reduce_max3A_34 = vector.extract %reduce_max3A_33[15] : f32 from vector<16xf32>
    %eq3A_35 = arith.constant 0 : i32
    %eq3A_36 = arith.cmpi eq, %add3A, %eq3A_35 : i32
    %jit3A = arith.constant 0x7F800000 : f32
    %jit3A_37 = arith.constant 0xFF800000 : f32
    %select_n3A_38 = arith.select %eq3A_36, %jit3A, %jit3A_37 : f32
    %jit3A_39 = arith.constant 0 : i32
    %jit3A_40 = arith.constant 1000000000 : i32
    %select_n3A_41 = arith.select %eq3A_36, %jit3A_39, %jit3A_40 : i32
    %broadcast_in_dim3A_42 = vector.broadcast %reduce_max3A_20 : f32 to vector<16xf32>
    %broadcast_in_dim3A_43 = arith.constant 1 : i32
    %broadcast_in_dim3A_44 = vector.broadcast %broadcast_in_dim3A_43 : i32 to vector<16xi32>
    %eq3A_45 = arith.cmpi eq, %iota3A, %broadcast_in_dim3A_44 : vector<16xi32>
    %broadcast_in_dim3A_46 = vector.broadcast %reduce_max3A_27 : f32 to vector<16xf32>
    %select_n3A_47 = arith.select %eq3A_45, %broadcast_in_dim3A_46, %broadcast_in_dim3A_42 : vector<16xi1>, vector<16xf32>
    %broadcast_in_dim3A_48 = arith.constant 2 : i32
    %broadcast_in_dim3A_49 = vector.broadcast %broadcast_in_dim3A_48 : i32 to vector<16xi32>
    %eq3A_50 = arith.cmpi eq, %iota3A, %broadcast_in_dim3A_49 : vector<16xi32>
    %broadcast_in_dim3A_51 = vector.broadcast %reduce_max3A_34 : f32 to vector<16xf32>
    %select_n3A_52 = arith.select %eq3A_50, %broadcast_in_dim3A_51, %select_n3A_47 : vector<16xi1>, vector<16xf32>
    %broadcast_in_dim3A_53 = arith.constant 3 : i32
    %broadcast_in_dim3A_54 = vector.broadcast %broadcast_in_dim3A_53 : i32 to vector<16xi32>
    %eq3A_55 = arith.cmpi eq, %iota3A, %broadcast_in_dim3A_54 : vector<16xi32>
    %broadcast_in_dim3A_56 = vector.broadcast %select_n3A_38 : f32 to vector<16xf32>
    %select_n3A_57 = arith.select %eq3A_55, %broadcast_in_dim3A_56, %select_n3A_52 : vector<16xi1>, vector<16xf32>
    %broadcast_in_dim3A_58 = arith.constant 4 : i32
    %broadcast_in_dim3A_59 = vector.broadcast %broadcast_in_dim3A_58 : i32 to vector<16xi32>
    %eq3A_60 = arith.cmpi eq, %iota3A, %broadcast_in_dim3A_59 : vector<16xi32>
    %convert_element_type3A = arith.sitofp %select_n3A_41 : i32 to f32
    %broadcast_in_dim3A_61 = vector.broadcast %convert_element_type3A : f32 to vector<16xf32>
    %select_n3A_62 = arith.select %eq3A_60, %broadcast_in_dim3A_61, %select_n3A_57 : vector<16xi1>, vector<16xf32>
    %broadcast_in_dim3A_63 = arith.constant 5 : i32
    %broadcast_in_dim3A_64 = vector.broadcast %broadcast_in_dim3A_63 : i32 to vector<16xi32>
    %eq3A_65 = arith.cmpi eq, %iota3A, %broadcast_in_dim3A_64 : vector<16xi32>
    %broadcast_in_dim3A_66 = arith.constant 1.000000e+00 : f32
    %broadcast_in_dim3A_67 = vector.broadcast %broadcast_in_dim3A_66 : f32 to vector<16xf32>
    %select_n3A_68 = arith.select %eq3A_65, %broadcast_in_dim3A_67, %select_n3A_62 : vector<16xi1>, vector<16xf32>
    %swap3A = arith.constant 0 : index
    %swap3A_69 = tpu.vector_load %arg8[%swap3A] {strides = array<i32>} : memref<16xf32, #tpu.memory_space<vmem>>, vector<16xf32>,
    tpu.vector_store %arg8[%swap3A], %select_n3A_68 {strides = array<i32>} : memref<16xf32, #tpu.memory_space<vmem>>, vector<16xf32>,
    %eq3A_70 = arith.constant 0 : i32
    %eq3A_71 = arith.constant 0 : i32
    %eq3A_72 = arith.cmpi eq, %eq3A_70, %eq3A_71 : i32
    %convert_element_type3A_73 = arith.extui %eq3A_72 : i1 to i32
    %cond3A = arith.constant 0 : i32
    %cond3A_74 = arith.cmpi ne, %convert_element_type3A_73, %cond3A : i32
    scf.if %cond3A_74 {
      %dma_start3A = arith.constant 0 : i32
      %dma_start3A_240 = tpu.memref_slice %arg11[%add3A, %dma_start3A] : memref<32x32xf32, #tpu.memory_space<hbm>> -> memref<1x16xf32, #tpu.memory_space<hbm>>
      %dma_start3A_241 = tpu.memref_squeeze %dma_start3A_240 : memref<1x16xf32, #tpu.memory_space<hbm>> -> memref<16xf32, #tpu.memory_space<hbm>>
      %dma_start3A_242 = arith.constant 0 : i32
      %dma_start3A_243 = tpu.memref_slice %arg11[%add3A, %dma_start3A_242] : memref<32x32xf32, #tpu.memory_space<hbm>> -> memref<1x16xf32, #tpu.memory_space<hbm>>
      %dma_start3A_244 = tpu.memref_squeeze %dma_start3A_243 : memref<1x16xf32, #tpu.memory_space<hbm>> -> memref<16xf32, #tpu.memory_space<hbm>>
      tpu.enqueue_dma source(%arg8 : memref<16xf32, #tpu.memory_space<vmem>>) target(%dma_start3A_244 : memref<16xf32, #tpu.memory_space<hbm>>) target_semaphore(%arg13 : memref<!tpu.dma_semaphore, #tpu.memory_space<semaphore_mem>>)
    } else {
    }
    %eq3A_75 = arith.constant 0 : i32
    %eq3A_76 = arith.constant 1 : i32
    %eq3A_77 = arith.cmpi eq, %eq3A_75, %eq3A_76 : i32
    %convert_element_type3A_78 = arith.extui %eq3A_77 : i1 to i32
    %cond3A_79 = arith.constant 0 : i32
    %cond3A_80 = arith.cmpi ne, %convert_element_type3A_78, %cond3A_79 : i32
    scf.if %cond3A_80 {
      %dma_start3A = arith.constant 0 : i32
      %dma_start3A_240 = tpu.memref_slice %arg12[%add3A, %dma_start3A] : memref<32x32xf32, #tpu.memory_space<hbm>> -> memref<1x16xf32, #tpu.memory_space<hbm>>
      %dma_start3A_241 = tpu.memref_squeeze %dma_start3A_240 : memref<1x16xf32, #tpu.memory_space<hbm>> -> memref<16xf32, #tpu.memory_space<hbm>>
      %dma_start3A_242 = arith.constant 0 : i32
      %dma_start3A_243 = tpu.memref_slice %arg12[%add3A, %dma_start3A_242] : memref<32x32xf32, #tpu.memory_space<hbm>> -> memref<1x16xf32, #tpu.memory_space<hbm>>
      %dma_start3A_244 = tpu.memref_squeeze %dma_start3A_243 : memref<1x16xf32, #tpu.memory_space<hbm>> -> memref<16xf32, #tpu.memory_space<hbm>>
      tpu.enqueue_dma source(%arg8 : memref<16xf32, #tpu.memory_space<vmem>>) target(%dma_start3A_244 : memref<16xf32, #tpu.memory_space<hbm>>) target_semaphore(%arg13 : memref<!tpu.dma_semaphore, #tpu.memory_space<semaphore_mem>>)
    } else {
    }
    %broadcast_in_dim3A_81 = arith.constant 0 : i32
    %broadcast_in_dim3A_82 = vector.broadcast %broadcast_in_dim3A_81 : i32 to vector<16xi32>
    %scan3A_83 = arith.constant 0 : i32
    %scan3A_84 = arith.constant 499 : i32
    %scan3A_85 = arith.addi %scan3A_83, %scan3A_84 : i32
    %scan3A_86 = arith.constant 1 : i32
    %scan3A_87 = scf.for %scan3A_240 = %scan3A_83 to %scan3A_85 step %scan3A_86 iter_args(%scan3A_241 = %broadcast_in_dim3A_82) -> (vector<16xi32>)  : i32 {
      %rem3A = arith.constant 2 : i32
      %rem3A_242 = arith.remsi %scan3A_240, %rem3A : i32
      %add3A_243 = arith.constant 1 : i32
      %add3A_244 = arith.addi %scan3A_240, %add3A_243 : i32
      %convert_element_type3A_245 = arith.sitofp %add3A_244 : i32 to f32
      %broadcast_in_dim3A_246 = vector.broadcast %convert_element_type3A_245 : f32 to vector<16xf32>
      %while3A_247 = arith.constant false
      %while3A_248 = scf.while (%while3A_441 = %while3A_247) : (i1) -> i1 {
        %not3A = arith.constant true
        %not3A_442 = arith.xori %while3A_441, %not3A : i1
        scf.condition(%not3A_442) %while3A_441 : i1
      } do {
      ^bb0(%while3A_441: i1):
        %eq3A_442 = arith.constant 0 : i32
        %eq3A_443 = arith.cmpi eq, %rem3A_242, %eq3A_442 : i32
        %convert_element_type3A_444 = arith.extui %eq3A_443 : i1 to i32
        %cond3A_445 = arith.constant 0 : i32
        %cond3A_446 = arith.cmpi ne, %convert_element_type3A_444, %cond3A_445 : i32
        scf.if %cond3A_446 {
          "tpu.region"() ({
            %run_scoped3A = tpu.sem_alloc : memref<!tpu.dma_semaphore, #tpu.memory_space<semaphore_mem>>
            tpu.enqueue_dma source(%arg11 : memref<32x32xf32, #tpu.memory_space<hbm>>) target(%arg9 : memref<32x32xf32, #tpu.memory_space<vmem>>) target_semaphore(%run_scoped3A : memref<!tpu.dma_semaphore, #tpu.memory_space<semaphore_mem>>)
            tpu.wait_dma2 semaphore(%run_scoped3A : memref<!tpu.dma_semaphore, #tpu.memory_space<semaphore_mem>>) src(%arg11 : memref<32x32xf32, #tpu.memory_space<hbm>>) dst(%arg9 : memref<32x32xf32, #tpu.memory_space<vmem>>)
            tpu.yield
          }) : () -> ()
        } else {
        }
        %eq3A_447 = arith.constant 1 : i32
        %eq3A_448 = arith.cmpi eq, %rem3A_242, %eq3A_447 : i32
        %convert_element_type3A_449 = arith.extui %eq3A_448 : i1 to i32
        %cond3A_450 = arith.constant 0 : i32
        %cond3A_451 = arith.cmpi ne, %convert_element_type3A_449, %cond3A_450 : i32
        scf.if %cond3A_451 {
          "tpu.region"() ({
            %run_scoped3A = tpu.sem_alloc : memref<!tpu.dma_semaphore, #tpu.memory_space<semaphore_mem>>
            tpu.enqueue_dma source(%arg12 : memref<32x32xf32, #tpu.memory_space<hbm>>) target(%arg9 : memref<32x32xf32, #tpu.memory_space<vmem>>) target_semaphore(%run_scoped3A : memref<!tpu.dma_semaphore, #tpu.memory_space<semaphore_mem>>)
            tpu.wait_dma2 semaphore(%run_scoped3A : memref<!tpu.dma_semaphore, #tpu.memory_space<semaphore_mem>>) src(%arg12 : memref<32x32xf32, #tpu.memory_space<hbm>>) dst(%arg9 : memref<32x32xf32, #tpu.memory_space<vmem>>)
            tpu.yield
          }) : () -> ()
        } else {
        }
        %broadcast_in_dim3A_452 = arith.constant 5 : i32
        %broadcast_in_dim3A_453 = vector.broadcast %broadcast_in_dim3A_452 : i32 to vector<16xi32>
        %gather3A_454 = tpu.vector_load_idx %arg9[%iota3A, %broadcast_in_dim3A_453] : memref<32x32xf32, #tpu.memory_space<vmem>>[vector<16xi32>, vector<16xi32>], vector<16xf32>,
        %broadcast_in_dim3A_455 = arith.constant 16 : i32
        %broadcast_in_dim3A_456 = vector.broadcast %broadcast_in_dim3A_455 : i32 to vector<16xi32>
        %add3A_457 = arith.addi %iota3A, %broadcast_in_dim3A_456 : vector<16xi32>
        %broadcast_in_dim3A_458 = arith.constant 5 : i32
        %broadcast_in_dim3A_459 = vector.broadcast %broadcast_in_dim3A_458 : i32 to vector<16xi32>
        %gather3A_460 = tpu.vector_load_idx %arg9[%add3A_457, %broadcast_in_dim3A_459] : memref<32x32xf32, #tpu.memory_space<vmem>>[vector<16xi32>, vector<16xi32>], vector<16xf32>,
        %eq3A_461 = arith.cmpf oeq, %gather3A_454, %broadcast_in_dim3A_246 : vector<16xf32>
        %eq3A_462 = arith.cmpf oeq, %gather3A_460, %broadcast_in_dim3A_246 : vector<16xf32>
        %and3A = arith.andi %eq3A_461, %eq3A_462 : vector<16xi1>
        %reduce_and3A = arith.constant 1.000000e+00 : f32
        %reduce_and3A_463 = arith.constant 0.000000e+00 : f32
        %reduce_and3A_464 = vector.broadcast %reduce_and3A : f32 to vector<16xf32>
        %reduce_and3A_465 = vector.broadcast %reduce_and3A_463 : f32 to vector<16xf32>
        %reduce_and3A_466 = arith.select %and3A, %reduce_and3A_464, %reduce_and3A_465 : vector<16xi1>, vector<16xf32>
        %reduce_and3A_467 = arith.constant true
        %reduce_and3A_468 = vector.broadcast %reduce_and3A_467 : i1 to vector<16xi1>
        %reduce_and3A_469 = tpu.scan <min>, %reduce_and3A_466 masked %reduce_and3A_468 : vector<16xf32>, vector<16xi1> -> vector<16xf32>
        %reduce_and3A_470 = vector.extract %reduce_and3A_469[15] : f32 from vector<16xf32>
        %reduce_and3A_471 = arith.constant 0.000000e+00 : f32
        %reduce_and3A_472 = arith.cmpf ogt, %reduce_and3A_470, %reduce_and3A_471 : f32
        scf.yield %reduce_and3A_472 : i1
      }
      %dma_wait3A_249 = arith.constant 0 : i32
      %dma_wait3A_250 = tpu.memref_slice %arg11[%add3A, %dma_wait3A_249] : memref<32x32xf32, #tpu.memory_space<hbm>> -> memref<1x16xf32, #tpu.memory_space<hbm>>
      %dma_wait3A_251 = tpu.memref_squeeze %dma_wait3A_250 : memref<1x16xf32, #tpu.memory_space<hbm>> -> memref<16xf32, #tpu.memory_space<hbm>>
      %dma_wait3A_252 = arith.constant 0 : i32
      %dma_wait3A_253 = tpu.memref_slice %arg11[%add3A, %dma_wait3A_252] : memref<32x32xf32, #tpu.memory_space<hbm>> -> memref<1x16xf32, #tpu.memory_space<hbm>>
      %dma_wait3A_254 = tpu.memref_squeeze %dma_wait3A_253 : memref<1x16xf32, #tpu.memory_space<hbm>> -> memref<16xf32, #tpu.memory_space<hbm>>
      tpu.wait_dma2 semaphore(%arg13 : memref<!tpu.dma_semaphore, #tpu.memory_space<semaphore_mem>>) src(%arg8 : memref<16xf32, #tpu.memory_space<vmem>>) dst(%dma_wait3A_254 : memref<16xf32, #tpu.memory_space<hbm>>)
      %broadcast_in_dim3A_255 = arith.constant 16 : i32
      %broadcast_in_dim3A_256 = vector.broadcast %broadcast_in_dim3A_255 : i32 to vector<16xi32>
      %add3A_257 = arith.addi %iota3A, %broadcast_in_dim3A_256 : vector<16xi32>
      %broadcast_in_dim3A_258 = arith.constant 3 : i32
      %broadcast_in_dim3A_259 = vector.broadcast %broadcast_in_dim3A_258 : i32 to vector<16xi32>
      %gather3A_260 = tpu.vector_load_idx %arg9[%iota3A, %broadcast_in_dim3A_259] : memref<32x32xf32, #tpu.memory_space<vmem>>[vector<16xi32>, vector<16xi32>], vector<16xf32>,
      %broadcast_in_dim3A_261 = arith.constant 3 : i32
      %broadcast_in_dim3A_262 = vector.broadcast %broadcast_in_dim3A_261 : i32 to vector<16xi32>
      %gather3A_263 = tpu.vector_load_idx %arg9[%add3A_257, %broadcast_in_dim3A_262] : memref<32x32xf32, #tpu.memory_space<vmem>>[vector<16xi32>, vector<16xi32>], vector<16xf32>,
      %broadcast_in_dim3A_264 = arith.constant 4 : i32
      %broadcast_in_dim3A_265 = vector.broadcast %broadcast_in_dim3A_264 : i32 to vector<16xi32>
      %gather3A_266 = tpu.vector_load_idx %arg9[%iota3A, %broadcast_in_dim3A_265] : memref<32x32xf32, #tpu.memory_space<vmem>>[vector<16xi32>, vector<16xi32>], vector<16xf32>,
      %convert_element_type3A_267 = arith.fptosi %gather3A_266 : vector<16xf32> to vector<16xi32>
      %broadcast_in_dim3A_268 = arith.constant 4 : i32
      %broadcast_in_dim3A_269 = vector.broadcast %broadcast_in_dim3A_268 : i32 to vector<16xi32>
      %gather3A_270 = tpu.vector_load_idx %arg9[%add3A_257, %broadcast_in_dim3A_269] : memref<32x32xf32, #tpu.memory_space<vmem>>[vector<16xi32>, vector<16xi32>], vector<16xf32>,
      %convert_element_type3A_271 = arith.fptosi %gather3A_270 : vector<16xf32> to vector<16xi32>
      %max3A_272 = arith.maximumf %gather3A_260, %gather3A_263 : vector<16xf32>
      %reduce_max3A_273 = arith.constant true
      %reduce_max3A_274 = vector.broadcast %reduce_max3A_273 : i1 to vector<16xi1>
      %reduce_max3A_275 = tpu.scan <max>, %max3A_272 masked %reduce_max3A_274 : vector<16xf32>, vector<16xi1> -> vector<16xf32>
      %reduce_max3A_276 = vector.extract %reduce_max3A_275[15] : f32 from vector<16xf32>
      %broadcast_in_dim3A_277 = vector.broadcast %reduce_max3A_276 : f32 to vector<16xf32>
      %eq3A_278 = arith.cmpf oeq, %gather3A_260, %broadcast_in_dim3A_277 : vector<16xf32>
      %broadcast_in_dim3A_279 = arith.constant 1000000000 : i32
      %broadcast_in_dim3A_280 = vector.broadcast %broadcast_in_dim3A_279 : i32 to vector<16xi32>
      %select_n3A_281 = arith.select %eq3A_278, %convert_element_type3A_267, %broadcast_in_dim3A_280 : vector<16xi1>, vector<16xi32>
      %eq3A_282 = arith.cmpf oeq, %gather3A_263, %broadcast_in_dim3A_277 : vector<16xf32>
      %broadcast_in_dim3A_283 = arith.constant 1000000000 : i32
      %broadcast_in_dim3A_284 = vector.broadcast %broadcast_in_dim3A_283 : i32 to vector<16xi32>
      %select_n3A_285 = arith.select %eq3A_282, %convert_element_type3A_271, %broadcast_in_dim3A_284 : vector<16xi1>, vector<16xi32>
      %min3A_286 = arith.minsi %select_n3A_281, %select_n3A_285 : vector<16xi32>
      %reduce_min3A_287 = arith.constant true
      %reduce_min3A_288 = vector.broadcast %reduce_min3A_287 : i1 to vector<16xi1>
      %reduce_min3A_289 = arith.constant -2147483648 : i32
      %reduce_min3A_290 = vector.broadcast %reduce_min3A_289 : i32 to vector<16xi32>
      %reduce_min3A_291 = arith.xori %min3A_286, %reduce_min3A_290 : vector<16xi32>
      %reduce_min3A_292 = tpu.scan <min>, %reduce_min3A_291 masked %reduce_min3A_288 : vector<16xi32>, vector<16xi1> -> vector<16xi32>
      %reduce_min3A_293 = arith.xori %reduce_min3A_292, %reduce_min3A_290 : vector<16xi32>
      %reduce_min3A_294 = vector.extract %reduce_min3A_293[15] : i32 from vector<16xi32>
      %broadcast_in_dim3A_295 = vector.broadcast %reduce_min3A_294 : i32 to vector<16xi32>
      %eq3A_296 = arith.cmpi eq, %select_n3A_281, %broadcast_in_dim3A_295 : vector<16xi32>
      %broadcast_in_dim3A_297 = vector.broadcast %reduce_min3A_294 : i32 to vector<16xi32>
      %eq3A_298 = arith.cmpi eq, %select_n3A_285, %broadcast_in_dim3A_297 : vector<16xi32>
      %broadcast_in_dim3A_299 = arith.constant 0 : i32
      %broadcast_in_dim3A_300 = vector.broadcast %broadcast_in_dim3A_299 : i32 to vector<16xi32>
      %gather3A_301 = tpu.vector_load_idx %arg9[%iota3A, %broadcast_in_dim3A_300] : memref<32x32xf32, #tpu.memory_space<vmem>>[vector<16xi32>, vector<16xi32>], vector<16xf32>,
      %select_n3A_302 = arith.select %eq3A_296, %gather3A_301, %broadcast_in_dim3A_3 : vector<16xi1>, vector<16xf32>
      %broadcast_in_dim3A_303 = arith.constant 0 : i32
      %broadcast_in_dim3A_304 = vector.broadcast %broadcast_in_dim3A_303 : i32 to vector<16xi32>
      %gather3A_305 = tpu.vector_load_idx %arg9[%add3A_257, %broadcast_in_dim3A_304] : memref<32x32xf32, #tpu.memory_space<vmem>>[vector<16xi32>, vector<16xi32>], vector<16xf32>,
      %select_n3A_306 = arith.select %eq3A_298, %gather3A_305, %broadcast_in_dim3A_3 : vector<16xi1>, vector<16xf32>
      %max3A_307 = arith.maximumf %select_n3A_302, %select_n3A_306 : vector<16xf32>
      %reduce_max3A_308 = arith.constant true
      %reduce_max3A_309 = vector.broadcast %reduce_max3A_308 : i1 to vector<16xi1>
      %reduce_max3A_310 = tpu.scan <max>, %max3A_307 masked %reduce_max3A_309 : vector<16xf32>, vector<16xi1> -> vector<16xf32>
      %reduce_max3A_311 = vector.extract %reduce_max3A_310[15] : f32 from vector<16xf32>
      %broadcast_in_dim3A_312 = arith.constant 1 : i32
      %broadcast_in_dim3A_313 = vector.broadcast %broadcast_in_dim3A_312 : i32 to vector<16xi32>
      %gather3A_314 = tpu.vector_load_idx %arg9[%iota3A, %broadcast_in_dim3A_313] : memref<32x32xf32, #tpu.memory_space<vmem>>[vector<16xi32>, vector<16xi32>], vector<16xf32>,
      %select_n3A_315 = arith.select %eq3A_296, %gather3A_314, %broadcast_in_dim3A_3 : vector<16xi1>, vector<16xf32>
      %broadcast_in_dim3A_316 = arith.constant 1 : i32
      %broadcast_in_dim3A_317 = vector.broadcast %broadcast_in_dim3A_316 : i32 to vector<16xi32>
      %gather3A_318 = tpu.vector_load_idx %arg9[%add3A_257, %broadcast_in_dim3A_317] : memref<32x32xf32, #tpu.memory_space<vmem>>[vector<16xi32>, vector<16xi32>], vector<16xf32>,
      %select_n3A_319 = arith.select %eq3A_298, %gather3A_318, %broadcast_in_dim3A_3 : vector<16xi1>, vector<16xf32>
      %max3A_320 = arith.maximumf %select_n3A_315, %select_n3A_319 : vector<16xf32>
      %reduce_max3A_321 = arith.constant true
      %reduce_max3A_322 = vector.broadcast %reduce_max3A_321 : i1 to vector<16xi1>
      %reduce_max3A_323 = tpu.scan <max>, %max3A_320 masked %reduce_max3A_322 : vector<16xf32>, vector<16xi1> -> vector<16xf32>
      %reduce_max3A_324 = vector.extract %reduce_max3A_323[15] : f32 from vector<16xf32>
      %broadcast_in_dim3A_325 = arith.constant 2 : i32
      %broadcast_in_dim3A_326 = vector.broadcast %broadcast_in_dim3A_325 : i32 to vector<16xi32>
      %gather3A_327 = tpu.vector_load_idx %arg9[%iota3A, %broadcast_in_dim3A_326] : memref<32x32xf32, #tpu.memory_space<vmem>>[vector<16xi32>, vector<16xi32>], vector<16xf32>,
      %select_n3A_328 = arith.select %eq3A_296, %gather3A_327, %broadcast_in_dim3A_3 : vector<16xi1>, vector<16xf32>
      %broadcast_in_dim3A_329 = arith.constant 2 : i32
      %broadcast_in_dim3A_330 = vector.broadcast %broadcast_in_dim3A_329 : i32 to vector<16xi32>
      %gather3A_331 = tpu.vector_load_idx %arg9[%add3A_257, %broadcast_in_dim3A_330] : memref<32x32xf32, #tpu.memory_space<vmem>>[vector<16xi32>, vector<16xi32>], vector<16xf32>,
      %select_n3A_332 = arith.select %eq3A_298, %gather3A_331, %broadcast_in_dim3A_3 : vector<16xi1>, vector<16xf32>
      %max3A_333 = arith.maximumf %select_n3A_328, %select_n3A_332 : vector<16xf32>
      %reduce_max3A_334 = arith.constant true
      %reduce_max3A_335 = vector.broadcast %reduce_max3A_334 : i1 to vector<16xi1>
      %reduce_max3A_336 = tpu.scan <max>, %max3A_333 masked %reduce_max3A_335 : vector<16xf32>, vector<16xi1> -> vector<16xf32>
      %reduce_max3A_337 = vector.extract %reduce_max3A_336[15] : f32 from vector<16xf32>
      %rem3A_338 = arith.constant 16 : i32
      %rem3A_339 = arith.remsi %scan3A_240, %rem3A_338 : i32
      %broadcast_in_dim3A_340 = vector.broadcast %rem3A_339 : i32 to vector<16xi32>
      %eq3A_341 = arith.cmpi eq, %iota3A, %broadcast_in_dim3A_340 : vector<16xi32>
      %broadcast_in_dim3A_342 = vector.broadcast %reduce_min3A_294 : i32 to vector<16xi32>
      %select_n3A_343 = arith.select %eq3A_341, %broadcast_in_dim3A_342, %scan3A_241 : vector<16xi1>, vector<16xi32>
      %eq3A_344 = arith.constant 15 : i32
      %eq3A_345 = arith.cmpi eq, %rem3A_339, %eq3A_344 : i32
      %convert_element_type3A_346 = arith.extui %eq3A_345 : i1 to i32
      %cond3A_347 = arith.constant 0 : i32
      %cond3A_348 = arith.cmpi ne, %convert_element_type3A_346, %cond3A_347 : i32
      scf.if %cond3A_348 {
        %jit3A_441 = arith.constant 16 : i32
        %div3A = arith.divsi %scan3A_240, %jit3A_441 : i32
        %sign3A = arith.constant 0 : i32
        %sign3A_442 = arith.cmpi sgt, %scan3A_240, %sign3A : i32
        %sign3A_443 = arith.extui %sign3A_442 : i1 to i32
        %sign3A_444 = arith.constant 0 : i32
        %sign3A_445 = arith.cmpi slt, %scan3A_240, %sign3A_444 : i32
        %sign3A_446 = arith.extui %sign3A_445 : i1 to i32
        %sign3A_447 = arith.subi %sign3A_443, %sign3A_446 : i32
        %sign3A_448 = arith.constant 0 : i32
        %sign3A_449 = arith.cmpi sgt, %jit3A_441, %sign3A_448 : i32
        %sign3A_450 = arith.extui %sign3A_449 : i1 to i32
        %sign3A_451 = arith.constant 0 : i32
        %sign3A_452 = arith.cmpi slt, %jit3A_441, %sign3A_451 : i32
        %sign3A_453 = arith.extui %sign3A_452 : i1 to i32
        %sign3A_454 = arith.subi %sign3A_450, %sign3A_453 : i32
        %ne3A = arith.cmpi ne, %sign3A_447, %sign3A_454 : i32
        %rem3A_455 = arith.remsi %scan3A_240, %jit3A_441 : i32
        %ne3A_456 = arith.constant 0 : i32
        %ne3A_457 = arith.cmpi ne, %rem3A_455, %ne3A_456 : i32
        %and3A = arith.andi %ne3A, %ne3A_457 : i1
        %sub3A_458 = arith.constant 1 : i32
        %sub3A_459 = arith.subi %div3A, %sub3A_458 : i32
        %select_n3A_460 = arith.select %and3A, %sub3A_459, %div3A : i32
        %mul3A_461 = arith.constant 16 : i32
        %mul3A_462 = arith.muli %select_n3A_460, %mul3A_461 : i32
        %swap3A_463 = arith.index_cast %mul3A_462 : i32 to index
        %swap3A_464 = tpu.vector_load %arg10[%swap3A_463] {strides = array<i32>} : memref<512xi32, #tpu.memory_space<vmem>>, vector<16xi32>,
        tpu.vector_store %arg10[%swap3A_463], %select_n3A_343 {strides = array<i32>} : memref<512xi32, #tpu.memory_space<vmem>>, vector<16xi32>,
      } else {
      }
      %broadcast_in_dim3A_349 = vector.broadcast %reduce_max3A_311 : f32 to vector<16xf32>
      %broadcast_in_dim3A_350 = vector.broadcast %reduce_max3A_324 : f32 to vector<16xf32>
      %broadcast_in_dim3A_351 = vector.broadcast %reduce_max3A_337 : f32 to vector<16xf32>
      %broadcast_in_dim3A_352 = arith.constant 0xFF800000 : f32
      %broadcast_in_dim3A_353 = vector.broadcast %broadcast_in_dim3A_352 : f32 to vector<16xf32>
      %broadcast_in_dim3A_354 = arith.constant 0 : i32
      %broadcast_in_dim3A_355 = vector.broadcast %broadcast_in_dim3A_354 : i32 to vector<16xi32>
      %scan3A_356 = arith.constant 0 : i32
      %scan3A_357 = arith.constant 98 : i32
      %scan3A_358 = arith.addi %scan3A_356, %scan3A_357 : i32
      %scan3A_359 = arith.constant 1 : i32
      %scan3A_360:2 = scf.for %scan3A_441 = %scan3A_356 to %scan3A_358 step %scan3A_359 iter_args(%scan3A_442 = %broadcast_in_dim3A_353, %scan3A_443 = %broadcast_in_dim3A_355) -> (vector<16xf32>, vector<16xi32>)  : i32 {
        %mul3A_444 = arith.constant 4 : i32
        %mul3A_445 = arith.muli %scan3A_441, %mul3A_444 : i32
        %add3A_446 = arith.constant 0 : i32
        %add3A_447 = arith.addi %mul3A_445, %add3A_446 : i32
        %mul3A_448 = arith.constant 16 : i32
        %mul3A_449 = arith.muli %add3A_447, %mul3A_448 : i32
        %get3A_450 = arith.index_cast %mul3A_449 : i32 to index
        %get3A_451 = tpu.vector_load %arg4[%get3A_450] {strides = array<i32>} : memref<6272xf32, #tpu.memory_space<vmem>>, vector<16xf32>,
        %sub3A_452 = arith.subf %get3A_451, %broadcast_in_dim3A_349 : vector<16xf32>
        %get3A_453 = arith.index_cast %mul3A_449 : i32 to index
        %get3A_454 = tpu.vector_load %arg5[%get3A_453] {strides = array<i32>} : memref<6272xf32, #tpu.memory_space<vmem>>, vector<16xf32>,
        %sub3A_455 = arith.subf %get3A_454, %broadcast_in_dim3A_350 : vector<16xf32>
        %get3A_456 = arith.index_cast %mul3A_449 : i32 to index
        %get3A_457 = tpu.vector_load %arg6[%get3A_456] {strides = array<i32>} : memref<6272xf32, #tpu.memory_space<vmem>>, vector<16xf32>,
        %sub3A_458 = arith.subf %get3A_457, %broadcast_in_dim3A_351 : vector<16xf32>
        %mul3A_459 = arith.mulf %sub3A_452, %sub3A_452 : vector<16xf32>
        %mul3A_460 = arith.mulf %sub3A_455, %sub3A_455 : vector<16xf32>
        %add3A_461 = arith.addf %mul3A_459, %mul3A_460 : vector<16xf32>
        %mul3A_462 = arith.mulf %sub3A_458, %sub3A_458 : vector<16xf32>
        %add3A_463 = arith.addf %add3A_461, %mul3A_462 : vector<16xf32>
        %get3A_464 = arith.index_cast %mul3A_449 : i32 to index
        %get3A_465 = tpu.vector_load %arg7[%get3A_464] {strides = array<i32>} : memref<6272xf32, #tpu.memory_space<vmem>>, vector<16xf32>,
        %min3A_466 = arith.minimumf %get3A_465, %add3A_463 : vector<16xf32>
        %swap3A_467 = arith.index_cast %mul3A_449 : i32 to index
        %swap3A_468 = tpu.vector_load %arg7[%swap3A_467] {strides = array<i32>} : memref<6272xf32, #tpu.memory_space<vmem>>, vector<16xf32>,
        tpu.vector_store %arg7[%swap3A_467], %min3A_466 {strides = array<i32>} : memref<6272xf32, #tpu.memory_space<vmem>>, vector<16xf32>,
        %mul3A_469 = arith.constant 4 : i32
        %mul3A_470 = arith.muli %scan3A_441, %mul3A_469 : i32
        %add3A_471 = arith.constant 0 : i32
        %add3A_472 = arith.addi %mul3A_470, %add3A_471 : i32
        %mul3A_473 = arith.constant 16 : i32
        %mul3A_474 = arith.muli %add3A_472, %mul3A_473 : i32
        %add3A_475 = arith.addi %mul3A_2, %mul3A_474 : i32
        %broadcast_in_dim3A_476 = vector.broadcast %add3A_475 : i32 to vector<16xi32>
        %add3A_477 = arith.addi %broadcast_in_dim3A_476, %iota3A : vector<16xi32>
        %gt3A = arith.cmpf ogt, %min3A_466, %scan3A_442 : vector<16xf32>
        %select_n3A_478 = arith.select %gt3A, %min3A_466, %scan3A_442 : vector<16xi1>, vector<16xf32>
        %select_n3A_479 = arith.select %gt3A, %add3A_477, %scan3A_443 : vector<16xi1>, vector<16xi32>
        %mul3A_480 = arith.constant 4 : i32
        %mul3A_481 = arith.muli %scan3A_441, %mul3A_480 : i32
        %add3A_482 = arith.constant 1 : i32
        %add3A_483 = arith.addi %mul3A_481, %add3A_482 : i32
        %mul3A_484 = arith.constant 16 : i32
        %mul3A_485 = arith.muli %add3A_483, %mul3A_484 : i32
        %get3A_486 = arith.index_cast %mul3A_485 : i32 to index
        %get3A_487 = tpu.vector_load %arg4[%get3A_486] {strides = array<i32>} : memref<6272xf32, #tpu.memory_space<vmem>>, vector<16xf32>,
        %sub3A_488 = arith.subf %get3A_487, %broadcast_in_dim3A_349 : vector<16xf32>
        %get3A_489 = arith.index_cast %mul3A_485 : i32 to index
        %get3A_490 = tpu.vector_load %arg5[%get3A_489] {strides = array<i32>} : memref<6272xf32, #tpu.memory_space<vmem>>, vector<16xf32>,
        %sub3A_491 = arith.subf %get3A_490, %broadcast_in_dim3A_350 : vector<16xf32>
        %get3A_492 = arith.index_cast %mul3A_485 : i32 to index
        %get3A_493 = tpu.vector_load %arg6[%get3A_492] {strides = array<i32>} : memref<6272xf32, #tpu.memory_space<vmem>>, vector<16xf32>,
        %sub3A_494 = arith.subf %get3A_493, %broadcast_in_dim3A_351 : vector<16xf32>
        %mul3A_495 = arith.mulf %sub3A_488, %sub3A_488 : vector<16xf32>
        %mul3A_496 = arith.mulf %sub3A_491, %sub3A_491 : vector<16xf32>
        %add3A_497 = arith.addf %mul3A_495, %mul3A_496 : vector<16xf32>
        %mul3A_498 = arith.mulf %sub3A_494, %sub3A_494 : vector<16xf32>
        %add3A_499 = arith.addf %add3A_497, %mul3A_498 : vector<16xf32>
        %get3A_500 = arith.index_cast %mul3A_485 : i32 to index
        %get3A_501 = tpu.vector_load %arg7[%get3A_500] {strides = array<i32>} : memref<6272xf32, #tpu.memory_space<vmem>>, vector<16xf32>,
        %min3A_502 = arith.minimumf %get3A_501, %add3A_499 : vector<16xf32>
        %swap3A_503 = arith.index_cast %mul3A_485 : i32 to index
        %swap3A_504 = tpu.vector_load %arg7[%swap3A_503] {strides = array<i32>} : memref<6272xf32, #tpu.memory_space<vmem>>, vector<16xf32>,
        tpu.vector_store %arg7[%swap3A_503], %min3A_502 {strides = array<i32>} : memref<6272xf32, #tpu.memory_space<vmem>>, vector<16xf32>,
        %mul3A_505 = arith.constant 4 : i32
        %mul3A_506 = arith.muli %scan3A_441, %mul3A_505 : i32
        %add3A_507 = arith.constant 1 : i32
        %add3A_508 = arith.addi %mul3A_506, %add3A_507 : i32
        %mul3A_509 = arith.constant 16 : i32
        %mul3A_510 = arith.muli %add3A_508, %mul3A_509 : i32
        %add3A_511 = arith.addi %mul3A_2, %mul3A_510 : i32
        %broadcast_in_dim3A_512 = vector.broadcast %add3A_511 : i32 to vector<16xi32>
        %add3A_513 = arith.addi %broadcast_in_dim3A_512, %iota3A : vector<16xi32>
        %gt3A_514 = arith.cmpf ogt, %min3A_502, %select_n3A_478 : vector<16xf32>
        %select_n3A_515 = arith.select %gt3A_514, %min3A_502, %select_n3A_478 : vector<16xi1>, vector<16xf32>
        %select_n3A_516 = arith.select %gt3A_514, %add3A_513, %select_n3A_479 : vector<16xi1>, vector<16xi32>
        %mul3A_517 = arith.constant 4 : i32
        %mul3A_518 = arith.muli %scan3A_441, %mul3A_517 : i32
        %add3A_519 = arith.constant 2 : i32
        %add3A_520 = arith.addi %mul3A_518, %add3A_519 : i32
        %mul3A_521 = arith.constant 16 : i32
        %mul3A_522 = arith.muli %add3A_520, %mul3A_521 : i32
        %get3A_523 = arith.index_cast %mul3A_522 : i32 to index
        %get3A_524 = tpu.vector_load %arg4[%get3A_523] {strides = array<i32>} : memref<6272xf32, #tpu.memory_space<vmem>>, vector<16xf32>,
        %sub3A_525 = arith.subf %get3A_524, %broadcast_in_dim3A_349 : vector<16xf32>
        %get3A_526 = arith.index_cast %mul3A_522 : i32 to index
        %get3A_527 = tpu.vector_load %arg5[%get3A_526] {strides = array<i32>} : memref<6272xf32, #tpu.memory_space<vmem>>, vector<16xf32>,
        %sub3A_528 = arith.subf %get3A_527, %broadcast_in_dim3A_350 : vector<16xf32>
        %get3A_529 = arith.index_cast %mul3A_522 : i32 to index
        %get3A_530 = tpu.vector_load %arg6[%get3A_529] {strides = array<i32>} : memref<6272xf32, #tpu.memory_space<vmem>>, vector<16xf32>,
        %sub3A_531 = arith.subf %get3A_530, %broadcast_in_dim3A_351 : vector<16xf32>
        %mul3A_532 = arith.mulf %sub3A_525, %sub3A_525 : vector<16xf32>
        %mul3A_533 = arith.mulf %sub3A_528, %sub3A_528 : vector<16xf32>
        %add3A_534 = arith.addf %mul3A_532, %mul3A_533 : vector<16xf32>
        %mul3A_535 = arith.mulf %sub3A_531, %sub3A_531 : vector<16xf32>
        %add3A_536 = arith.addf %add3A_534, %mul3A_535 : vector<16xf32>
        %get3A_537 = arith.index_cast %mul3A_522 : i32 to index
        %get3A_538 = tpu.vector_load %arg7[%get3A_537] {strides = array<i32>} : memref<6272xf32, #tpu.memory_space<vmem>>, vector<16xf32>,
        %min3A_539 = arith.minimumf %get3A_538, %add3A_536 : vector<16xf32>
        %swap3A_540 = arith.index_cast %mul3A_522 : i32 to index
        %swap3A_541 = tpu.vector_load %arg7[%swap3A_540] {strides = array<i32>} : memref<6272xf32, #tpu.memory_space<vmem>>, vector<16xf32>,
        tpu.vector_store %arg7[%swap3A_540], %min3A_539 {strides = array<i32>} : memref<6272xf32, #tpu.memory_space<vmem>>, vector<16xf32>,
        %mul3A_542 = arith.constant 4 : i32
        %mul3A_543 = arith.muli %scan3A_441, %mul3A_542 : i32
        %add3A_544 = arith.constant 2 : i32
        %add3A_545 = arith.addi %mul3A_543, %add3A_544 : i32
        %mul3A_546 = arith.constant 16 : i32
        %mul3A_547 = arith.muli %add3A_545, %mul3A_546 : i32
        %add3A_548 = arith.addi %mul3A_2, %mul3A_547 : i32
        %broadcast_in_dim3A_549 = vector.broadcast %add3A_548 : i32 to vector<16xi32>
        %add3A_550 = arith.addi %broadcast_in_dim3A_549, %iota3A : vector<16xi32>
        %gt3A_551 = arith.cmpf ogt, %min3A_539, %select_n3A_515 : vector<16xf32>
        %select_n3A_552 = arith.select %gt3A_551, %min3A_539, %select_n3A_515 : vector<16xi1>, vector<16xf32>
        %select_n3A_553 = arith.select %gt3A_551, %add3A_550, %select_n3A_516 : vector<16xi1>, vector<16xi32>
        %mul3A_554 = arith.constant 4 : i32
        %mul3A_555 = arith.muli %scan3A_441, %mul3A_554 : i32
        %add3A_556 = arith.constant 3 : i32
        %add3A_557 = arith.addi %mul3A_555, %add3A_556 : i32
        %mul3A_558 = arith.constant 16 : i32
        %mul3A_559 = arith.muli %add3A_557, %mul3A_558 : i32
        %get3A_560 = arith.index_cast %mul3A_559 : i32 to index
        %get3A_561 = tpu.vector_load %arg4[%get3A_560] {strides = array<i32>} : memref<6272xf32, #tpu.memory_space<vmem>>, vector<16xf32>,
        %sub3A_562 = arith.subf %get3A_561, %broadcast_in_dim3A_349 : vector<16xf32>
        %get3A_563 = arith.index_cast %mul3A_559 : i32 to index
        %get3A_564 = tpu.vector_load %arg5[%get3A_563] {strides = array<i32>} : memref<6272xf32, #tpu.memory_space<vmem>>, vector<16xf32>,
        %sub3A_565 = arith.subf %get3A_564, %broadcast_in_dim3A_350 : vector<16xf32>
        %get3A_566 = arith.index_cast %mul3A_559 : i32 to index
        %get3A_567 = tpu.vector_load %arg6[%get3A_566] {strides = array<i32>} : memref<6272xf32, #tpu.memory_space<vmem>>, vector<16xf32>,
        %sub3A_568 = arith.subf %get3A_567, %broadcast_in_dim3A_351 : vector<16xf32>
        %mul3A_569 = arith.mulf %sub3A_562, %sub3A_562 : vector<16xf32>
        %mul3A_570 = arith.mulf %sub3A_565, %sub3A_565 : vector<16xf32>
        %add3A_571 = arith.addf %mul3A_569, %mul3A_570 : vector<16xf32>
        %mul3A_572 = arith.mulf %sub3A_568, %sub3A_568 : vector<16xf32>
        %add3A_573 = arith.addf %add3A_571, %mul3A_572 : vector<16xf32>
        %get3A_574 = arith.index_cast %mul3A_559 : i32 to index
        %get3A_575 = tpu.vector_load %arg7[%get3A_574] {strides = array<i32>} : memref<6272xf32, #tpu.memory_space<vmem>>, vector<16xf32>,
        %min3A_576 = arith.minimumf %get3A_575, %add3A_573 : vector<16xf32>
        %swap3A_577 = arith.index_cast %mul3A_559 : i32 to index
        %swap3A_578 = tpu.vector_load %arg7[%swap3A_577] {strides = array<i32>} : memref<6272xf32, #tpu.memory_space<vmem>>, vector<16xf32>,
        tpu.vector_store %arg7[%swap3A_577], %min3A_576 {strides = array<i32>} : memref<6272xf32, #tpu.memory_space<vmem>>, vector<16xf32>,
        %mul3A_579 = arith.constant 4 : i32
        %mul3A_580 = arith.muli %scan3A_441, %mul3A_579 : i32
        %add3A_581 = arith.constant 3 : i32
        %add3A_582 = arith.addi %mul3A_580, %add3A_581 : i32
        %mul3A_583 = arith.constant 16 : i32
        %mul3A_584 = arith.muli %add3A_582, %mul3A_583 : i32
        %add3A_585 = arith.addi %mul3A_2, %mul3A_584 : i32
        %broadcast_in_dim3A_586 = vector.broadcast %add3A_585 : i32 to vector<16xi32>
        %add3A_587 = arith.addi %broadcast_in_dim3A_586, %iota3A : vector<16xi32>
        %gt3A_588 = arith.cmpf ogt, %min3A_576, %select_n3A_552 : vector<16xf32>
        %select_n3A_589 = arith.select %gt3A_588, %min3A_576, %select_n3A_552 : vector<16xi1>, vector<16xf32>
        %select_n3A_590 = arith.select %gt3A_588, %add3A_587, %select_n3A_553 : vector<16xi1>, vector<16xi32>
        scf.yield %select_n3A_589, %select_n3A_590 : vector<16xf32>, vector<16xi32>
      }
      %scan3A_361 = arith.constant 98 : i32
      %reduce_max3A_362 = arith.constant true
      %reduce_max3A_363 = vector.broadcast %reduce_max3A_362 : i1 to vector<16xi1>
      %reduce_max3A_364 = tpu.scan <max>, %scan3A_360#0 masked %reduce_max3A_363 : vector<16xf32>, vector<16xi1> -> vector<16xf32>
      %reduce_max3A_365 = vector.extract %reduce_max3A_364[15] : f32 from vector<16xf32>
      %broadcast_in_dim3A_366 = vector.broadcast %reduce_max3A_365 : f32 to vector<16xf32>
      %eq3A_367 = arith.cmpf oeq, %scan3A_360#0, %broadcast_in_dim3A_366 : vector<16xf32>
      %broadcast_in_dim3A_368 = arith.constant 1000000000 : i32
      %broadcast_in_dim3A_369 = vector.broadcast %broadcast_in_dim3A_368 : i32 to vector<16xi32>
      %select_n3A_370 = arith.select %eq3A_367, %scan3A_360#1, %broadcast_in_dim3A_369 : vector<16xi1>, vector<16xi32>
      %reduce_min3A_371 = arith.constant true
      %reduce_min3A_372 = vector.broadcast %reduce_min3A_371 : i1 to vector<16xi1>
      %reduce_min3A_373 = arith.constant -2147483648 : i32
      %reduce_min3A_374 = vector.broadcast %reduce_min3A_373 : i32 to vector<16xi32>
      %reduce_min3A_375 = arith.xori %select_n3A_370, %reduce_min3A_374 : vector<16xi32>
      %reduce_min3A_376 = tpu.scan <min>, %reduce_min3A_375 masked %reduce_min3A_372 : vector<16xi32>, vector<16xi1> -> vector<16xi32>
      %reduce_min3A_377 = arith.xori %reduce_min3A_376, %reduce_min3A_374 : vector<16xi32>
      %reduce_min3A_378 = vector.extract %reduce_min3A_377[15] : i32 from vector<16xi32>
      %sub3A = arith.subi %reduce_min3A_378, %mul3A_2 : i32
      %broadcast_in_dim3A_379 = vector.broadcast %sub3A : i32 to vector<16xi32>
      %gather3A_380 = tpu.vector_load_idx %arg4[%broadcast_in_dim3A_379] : memref<6272xf32, #tpu.memory_space<vmem>>[vector<16xi32>], vector<16xf32>,
      %reduce_max3A_381 = arith.constant true
      %reduce_max3A_382 = vector.broadcast %reduce_max3A_381 : i1 to vector<16xi1>
      %reduce_max3A_383 = tpu.scan <max>, %gather3A_380 masked %reduce_max3A_382 : vector<16xf32>, vector<16xi1> -> vector<16xf32>
      %reduce_max3A_384 = vector.extract %reduce_max3A_383[15] : f32 from vector<16xf32>
      %gather3A_385 = tpu.vector_load_idx %arg5[%broadcast_in_dim3A_379] : memref<6272xf32, #tpu.memory_space<vmem>>[vector<16xi32>], vector<16xf32>,
      %reduce_max3A_386 = arith.constant true
      %reduce_max3A_387 = vector.broadcast %reduce_max3A_386 : i1 to vector<16xi1>
      %reduce_max3A_388 = tpu.scan <max>, %gather3A_385 masked %reduce_max3A_387 : vector<16xf32>, vector<16xi1> -> vector<16xf32>
      %reduce_max3A_389 = vector.extract %reduce_max3A_388[15] : f32 from vector<16xf32>
      %gather3A_390 = tpu.vector_load_idx %arg6[%broadcast_in_dim3A_379] : memref<6272xf32, #tpu.memory_space<vmem>>[vector<16xi32>], vector<16xf32>,
      %reduce_max3A_391 = arith.constant true
      %reduce_max3A_392 = vector.broadcast %reduce_max3A_391 : i1 to vector<16xi1>
      %reduce_max3A_393 = tpu.scan <max>, %gather3A_390 masked %reduce_max3A_392 : vector<16xf32>, vector<16xi1> -> vector<16xf32>
      %reduce_max3A_394 = vector.extract %reduce_max3A_393[15] : f32 from vector<16xf32>
      %add3A_395 = arith.constant 1 : i32
      %add3A_396 = arith.addi %scan3A_240, %add3A_395 : i32
      %rem3A_397 = arith.constant 2 : i32
      %rem3A_398 = arith.remsi %add3A_396, %rem3A_397 : i32
      %add3A_399 = arith.constant 2 : i32
      %add3A_400 = arith.addi %scan3A_240, %add3A_399 : i32
      %broadcast_in_dim3A_401 = vector.broadcast %reduce_max3A_384 : f32 to vector<16xf32>
      %broadcast_in_dim3A_402 = arith.constant 1 : i32
      %broadcast_in_dim3A_403 = vector.broadcast %broadcast_in_dim3A_402 : i32 to vector<16xi32>
      %eq3A_404 = arith.cmpi eq, %iota3A, %broadcast_in_dim3A_403 : vector<16xi32>
      %broadcast_in_dim3A_405 = vector.broadcast %reduce_max3A_389 : f32 to vector<16xf32>
      %select_n3A_406 = arith.select %eq3A_404, %broadcast_in_dim3A_405, %broadcast_in_dim3A_401 : vector<16xi1>, vector<16xf32>
      %broadcast_in_dim3A_407 = arith.constant 2 : i32
      %broadcast_in_dim3A_408 = vector.broadcast %broadcast_in_dim3A_407 : i32 to vector<16xi32>
      %eq3A_409 = arith.cmpi eq, %iota3A, %broadcast_in_dim3A_408 : vector<16xi32>
      %broadcast_in_dim3A_410 = vector.broadcast %reduce_max3A_394 : f32 to vector<16xf32>
      %select_n3A_411 = arith.select %eq3A_409, %broadcast_in_dim3A_410, %select_n3A_406 : vector<16xi1>, vector<16xf32>
      %broadcast_in_dim3A_412 = arith.constant 3 : i32
      %broadcast_in_dim3A_413 = vector.broadcast %broadcast_in_dim3A_412 : i32 to vector<16xi32>
      %eq3A_414 = arith.cmpi eq, %iota3A, %broadcast_in_dim3A_413 : vector<16xi32>
      %broadcast_in_dim3A_415 = vector.broadcast %reduce_max3A_365 : f32 to vector<16xf32>
      %select_n3A_416 = arith.select %eq3A_414, %broadcast_in_dim3A_415, %select_n3A_411 : vector<16xi1>, vector<16xf32>
      %broadcast_in_dim3A_417 = arith.constant 4 : i32
      %broadcast_in_dim3A_418 = vector.broadcast %broadcast_in_dim3A_417 : i32 to vector<16xi32>
      %eq3A_419 = arith.cmpi eq, %iota3A, %broadcast_in_dim3A_418 : vector<16xi32>
      %convert_element_type3A_420 = arith.sitofp %reduce_min3A_378 : i32 to f32
      %broadcast_in_dim3A_421 = vector.broadcast %convert_element_type3A_420 : f32 to vector<16xf32>
      %select_n3A_422 = arith.select %eq3A_419, %broadcast_in_dim3A_421, %select_n3A_416 : vector<16xi1>, vector<16xf32>
      %broadcast_in_dim3A_423 = arith.constant 5 : i32
      %broadcast_in_dim3A_424 = vector.broadcast %broadcast_in_dim3A_423 : i32 to vector<16xi32>
      %eq3A_425 = arith.cmpi eq, %iota3A, %broadcast_in_dim3A_424 : vector<16xi32>
      %convert_element_type3A_426 = arith.sitofp %add3A_400 : i32 to f32
      %broadcast_in_dim3A_427 = vector.broadcast %convert_element_type3A_426 : f32 to vector<16xf32>
      %select_n3A_428 = arith.select %eq3A_425, %broadcast_in_dim3A_427, %select_n3A_422 : vector<16xi1>, vector<16xf32>
      %swap3A_429 = arith.constant 0 : index
      %swap3A_430 = tpu.vector_load %arg8[%swap3A_429] {strides = array<i32>} : memref<16xf32, #tpu.memory_space<vmem>>, vector<16xf32>,
      tpu.vector_store %arg8[%swap3A_429], %select_n3A_428 {strides = array<i32>} : memref<16xf32, #tpu.memory_space<vmem>>, vector<16xf32>,
      %eq3A_431 = arith.constant 0 : i32
      %eq3A_432 = arith.cmpi eq, %rem3A_398, %eq3A_431 : i32
      %convert_element_type3A_433 = arith.extui %eq3A_432 : i1 to i32
      %cond3A_434 = arith.constant 0 : i32
      %cond3A_435 = arith.cmpi ne, %convert_element_type3A_433, %cond3A_434 : i32
      scf.if %cond3A_435 {
        %dma_start3A = arith.constant 0 : i32
        %dma_start3A_441 = tpu.memref_slice %arg11[%add3A, %dma_start3A] : memref<32x32xf32, #tpu.memory_space<hbm>> -> memref<1x16xf32, #tpu.memory_space<hbm>>
        %dma_start3A_442 = tpu.memref_squeeze %dma_start3A_441 : memref<1x16xf32, #tpu.memory_space<hbm>> -> memref<16xf32, #tpu.memory_space<hbm>>
        %dma_start3A_443 = arith.constant 0 : i32
        %dma_start3A_444 = tpu.memref_slice %arg11[%add3A, %dma_start3A_443] : memref<32x32xf32, #tpu.memory_space<hbm>> -> memref<1x16xf32, #tpu.memory_space<hbm>>
        %dma_start3A_445 = tpu.memref_squeeze %dma_start3A_444 : memref<1x16xf32, #tpu.memory_space<hbm>> -> memref<16xf32, #tpu.memory_space<hbm>>
        tpu.enqueue_dma source(%arg8 : memref<16xf32, #tpu.memory_space<vmem>>) target(%dma_start3A_445 : memref<16xf32, #tpu.memory_space<hbm>>) target_semaphore(%arg13 : memref<!tpu.dma_semaphore, #tpu.memory_space<semaphore_mem>>)
      } else {
      }
      %eq3A_436 = arith.constant 1 : i32
      %eq3A_437 = arith.cmpi eq, %rem3A_398, %eq3A_436 : i32
      %convert_element_type3A_438 = arith.extui %eq3A_437 : i1 to i32
      %cond3A_439 = arith.constant 0 : i32
      %cond3A_440 = arith.cmpi ne, %convert_element_type3A_438, %cond3A_439 : i32
      scf.if %cond3A_440 {
        %dma_start3A = arith.constant 0 : i32
        %dma_start3A_441 = tpu.memref_slice %arg12[%add3A, %dma_start3A] : memref<32x32xf32, #tpu.memory_space<hbm>> -> memref<1x16xf32, #tpu.memory_space<hbm>>
        %dma_start3A_442 = tpu.memref_squeeze %dma_start3A_441 : memref<1x16xf32, #tpu.memory_space<hbm>> -> memref<16xf32, #tpu.memory_space<hbm>>
        %dma_start3A_443 = arith.constant 0 : i32
        %dma_start3A_444 = tpu.memref_slice %arg12[%add3A, %dma_start3A_443] : memref<32x32xf32, #tpu.memory_space<hbm>> -> memref<1x16xf32, #tpu.memory_space<hbm>>
        %dma_start3A_445 = tpu.memref_squeeze %dma_start3A_444 : memref<1x16xf32, #tpu.memory_space<hbm>> -> memref<16xf32, #tpu.memory_space<hbm>>
        tpu.enqueue_dma source(%arg8 : memref<16xf32, #tpu.memory_space<vmem>>) target(%dma_start3A_445 : memref<16xf32, #tpu.memory_space<hbm>>) target_semaphore(%arg13 : memref<!tpu.dma_semaphore, #tpu.memory_space<semaphore_mem>>)
      } else {
      }
      scf.yield %select_n3A_343 : vector<16xi32>
    }
    %scan3A_88 = arith.constant 499 : i32
    %broadcast_in_dim3A_89 = arith.constant 5.000000e+02 : f32
    %broadcast_in_dim3A_90 = vector.broadcast %broadcast_in_dim3A_89 : f32 to vector<16xf32>
    %while3A = arith.constant false
    %while3A_91 = scf.while (%while3A_240 = %while3A) : (i1) -> i1 {
      %not3A = arith.constant true
      %not3A_241 = arith.xori %while3A_240, %not3A : i1
      scf.condition(%not3A_241) %while3A_240 : i1
    } do {
    ^bb0(%while3A_240: i1):
      "tpu.region"() ({
        %run_scoped3A = tpu.sem_alloc : memref<!tpu.dma_semaphore, #tpu.memory_space<semaphore_mem>>
        tpu.enqueue_dma source(%arg12 : memref<32x32xf32, #tpu.memory_space<hbm>>) target(%arg9 : memref<32x32xf32, #tpu.memory_space<vmem>>) target_semaphore(%run_scoped3A : memref<!tpu.dma_semaphore, #tpu.memory_space<semaphore_mem>>)
        tpu.wait_dma2 semaphore(%run_scoped3A : memref<!tpu.dma_semaphore, #tpu.memory_space<semaphore_mem>>) src(%arg12 : memref<32x32xf32, #tpu.memory_space<hbm>>) dst(%arg9 : memref<32x32xf32, #tpu.memory_space<vmem>>)
        tpu.yield
      }) : () -> ()
      %broadcast_in_dim3A_241 = arith.constant 5 : i32
      %broadcast_in_dim3A_242 = vector.broadcast %broadcast_in_dim3A_241 : i32 to vector<16xi32>
      %gather3A_243 = tpu.vector_load_idx %arg9[%iota3A, %broadcast_in_dim3A_242] : memref<32x32xf32, #tpu.memory_space<vmem>>[vector<16xi32>, vector<16xi32>], vector<16xf32>,
      %broadcast_in_dim3A_244 = arith.constant 16 : i32
      %broadcast_in_dim3A_245 = vector.broadcast %broadcast_in_dim3A_244 : i32 to vector<16xi32>
      %add3A_246 = arith.addi %iota3A, %broadcast_in_dim3A_245 : vector<16xi32>
      %broadcast_in_dim3A_247 = arith.constant 5 : i32
      %broadcast_in_dim3A_248 = vector.broadcast %broadcast_in_dim3A_247 : i32 to vector<16xi32>
      %gather3A_249 = tpu.vector_load_idx %arg9[%add3A_246, %broadcast_in_dim3A_248] : memref<32x32xf32, #tpu.memory_space<vmem>>[vector<16xi32>, vector<16xi32>], vector<16xf32>,
      %eq3A_250 = arith.cmpf oeq, %gather3A_243, %broadcast_in_dim3A_90 : vector<16xf32>
      %eq3A_251 = arith.cmpf oeq, %gather3A_249, %broadcast_in_dim3A_90 : vector<16xf32>
      %and3A = arith.andi %eq3A_250, %eq3A_251 : vector<16xi1>
      %reduce_and3A = arith.constant 1.000000e+00 : f32
      %reduce_and3A_252 = arith.constant 0.000000e+00 : f32
      %reduce_and3A_253 = vector.broadcast %reduce_and3A : f32 to vector<16xf32>
      %reduce_and3A_254 = vector.broadcast %reduce_and3A_252 : f32 to vector<16xf32>
      %reduce_and3A_255 = arith.select %and3A, %reduce_and3A_253, %reduce_and3A_254 : vector<16xi1>, vector<16xf32>
      %reduce_and3A_256 = arith.constant true
      %reduce_and3A_257 = vector.broadcast %reduce_and3A_256 : i1 to vector<16xi1>
      %reduce_and3A_258 = tpu.scan <min>, %reduce_and3A_255 masked %reduce_and3A_257 : vector<16xf32>, vector<16xi1> -> vector<16xf32>
      %reduce_and3A_259 = vector.extract %reduce_and3A_258[15] : f32 from vector<16xf32>
      %reduce_and3A_260 = arith.constant 0.000000e+00 : f32
      %reduce_and3A_261 = arith.cmpf ogt, %reduce_and3A_259, %reduce_and3A_260 : f32
      scf.yield %reduce_and3A_261 : i1
    }
    %dma_wait3A = arith.constant 0 : i32
    %dma_wait3A_92 = tpu.memref_slice %arg11[%add3A, %dma_wait3A] : memref<32x32xf32, #tpu.memory_space<hbm>> -> memref<1x16xf32, #tpu.memory_space<hbm>>
    %dma_wait3A_93 = tpu.memref_squeeze %dma_wait3A_92 : memref<1x16xf32, #tpu.memory_space<hbm>> -> memref<16xf32, #tpu.memory_space<hbm>>
    %dma_wait3A_94 = arith.constant 0 : i32
    %dma_wait3A_95 = tpu.memref_slice %arg11[%add3A, %dma_wait3A_94] : memref<32x32xf32, #tpu.memory_space<hbm>> -> memref<1x16xf32, #tpu.memory_space<hbm>>
    %dma_wait3A_96 = tpu.memref_squeeze %dma_wait3A_95 : memref<1x16xf32, #tpu.memory_space<hbm>> -> memref<16xf32, #tpu.memory_space<hbm>>
    tpu.wait_dma2 semaphore(%arg13 : memref<!tpu.dma_semaphore, #tpu.memory_space<semaphore_mem>>) src(%arg8 : memref<16xf32, #tpu.memory_space<vmem>>) dst(%dma_wait3A_96 : memref<16xf32, #tpu.memory_space<hbm>>)
    %broadcast_in_dim3A_97 = arith.constant 16 : i32
    %broadcast_in_dim3A_98 = vector.broadcast %broadcast_in_dim3A_97 : i32 to vector<16xi32>
    %add3A_99 = arith.addi %iota3A, %broadcast_in_dim3A_98 : vector<16xi32>
    %broadcast_in_dim3A_100 = arith.constant 3 : i32
    %broadcast_in_dim3A_101 = vector.broadcast %broadcast_in_dim3A_100 : i32 to vector<16xi32>
    %gather3A = tpu.vector_load_idx %arg9[%iota3A, %broadcast_in_dim3A_101] : memref<32x32xf32, #tpu.memory_space<vmem>>[vector<16xi32>, vector<16xi32>], vector<16xf32>,
    %broadcast_in_dim3A_102 = arith.constant 3 : i32
    %broadcast_in_dim3A_103 = vector.broadcast %broadcast_in_dim3A_102 : i32 to vector<16xi32>
    %gather3A_104 = tpu.vector_load_idx %arg9[%add3A_99, %broadcast_in_dim3A_103] : memref<32x32xf32, #tpu.memory_space<vmem>>[vector<16xi32>, vector<16xi32>], vector<16xf32>,
    %broadcast_in_dim3A_105 = arith.constant 4 : i32
    %broadcast_in_dim3A_106 = vector.broadcast %broadcast_in_dim3A_105 : i32 to vector<16xi32>
    %gather3A_107 = tpu.vector_load_idx %arg9[%iota3A, %broadcast_in_dim3A_106] : memref<32x32xf32, #tpu.memory_space<vmem>>[vector<16xi32>, vector<16xi32>], vector<16xf32>,
    %convert_element_type3A_108 = arith.fptosi %gather3A_107 : vector<16xf32> to vector<16xi32>
    %broadcast_in_dim3A_109 = arith.constant 4 : i32
    %broadcast_in_dim3A_110 = vector.broadcast %broadcast_in_dim3A_109 : i32 to vector<16xi32>
    %gather3A_111 = tpu.vector_load_idx %arg9[%add3A_99, %broadcast_in_dim3A_110] : memref<32x32xf32, #tpu.memory_space<vmem>>[vector<16xi32>, vector<16xi32>], vector<16xf32>,
    %convert_element_type3A_112 = arith.fptosi %gather3A_111 : vector<16xf32> to vector<16xi32>
    %max3A = arith.maximumf %gather3A, %gather3A_104 : vector<16xf32>
    %reduce_max3A_113 = arith.constant true
    %reduce_max3A_114 = vector.broadcast %reduce_max3A_113 : i1 to vector<16xi1>
    %reduce_max3A_115 = tpu.scan <max>, %max3A masked %reduce_max3A_114 : vector<16xf32>, vector<16xi1> -> vector<16xf32>
    %reduce_max3A_116 = vector.extract %reduce_max3A_115[15] : f32 from vector<16xf32>
    %broadcast_in_dim3A_117 = vector.broadcast %reduce_max3A_116 : f32 to vector<16xf32>
    %eq3A_118 = arith.cmpf oeq, %gather3A, %broadcast_in_dim3A_117 : vector<16xf32>
    %broadcast_in_dim3A_119 = arith.constant 1000000000 : i32
    %broadcast_in_dim3A_120 = vector.broadcast %broadcast_in_dim3A_119 : i32 to vector<16xi32>
    %select_n3A_121 = arith.select %eq3A_118, %convert_element_type3A_108, %broadcast_in_dim3A_120 : vector<16xi1>, vector<16xi32>
    %eq3A_122 = arith.cmpf oeq, %gather3A_104, %broadcast_in_dim3A_117 : vector<16xf32>
    %broadcast_in_dim3A_123 = arith.constant 1000000000 : i32
    %broadcast_in_dim3A_124 = vector.broadcast %broadcast_in_dim3A_123 : i32 to vector<16xi32>
    %select_n3A_125 = arith.select %eq3A_122, %convert_element_type3A_112, %broadcast_in_dim3A_124 : vector<16xi1>, vector<16xi32>
    %min3A = arith.minsi %select_n3A_121, %select_n3A_125 : vector<16xi32>
    %reduce_min3A = arith.constant true
    %reduce_min3A_126 = vector.broadcast %reduce_min3A : i1 to vector<16xi1>
    %reduce_min3A_127 = arith.constant -2147483648 : i32
    %reduce_min3A_128 = vector.broadcast %reduce_min3A_127 : i32 to vector<16xi32>
    %reduce_min3A_129 = arith.xori %min3A, %reduce_min3A_128 : vector<16xi32>
    %reduce_min3A_130 = tpu.scan <min>, %reduce_min3A_129 masked %reduce_min3A_126 : vector<16xi32>, vector<16xi1> -> vector<16xi32>
    %reduce_min3A_131 = arith.xori %reduce_min3A_130, %reduce_min3A_128 : vector<16xi32>
    %reduce_min3A_132 = vector.extract %reduce_min3A_131[15] : i32 from vector<16xi32>
    %broadcast_in_dim3A_133 = vector.broadcast %reduce_min3A_132 : i32 to vector<16xi32>
    %eq3A_134 = arith.cmpi eq, %select_n3A_121, %broadcast_in_dim3A_133 : vector<16xi32>
    %broadcast_in_dim3A_135 = vector.broadcast %reduce_min3A_132 : i32 to vector<16xi32>
    %eq3A_136 = arith.cmpi eq, %select_n3A_125, %broadcast_in_dim3A_135 : vector<16xi32>
    %broadcast_in_dim3A_137 = arith.constant 0 : i32
    %broadcast_in_dim3A_138 = vector.broadcast %broadcast_in_dim3A_137 : i32 to vector<16xi32>
    %gather3A_139 = tpu.vector_load_idx %arg9[%iota3A, %broadcast_in_dim3A_138] : memref<32x32xf32, #tpu.memory_space<vmem>>[vector<16xi32>, vector<16xi32>], vector<16xf32>,
    %select_n3A_140 = arith.select %eq3A_134, %gather3A_139, %broadcast_in_dim3A_3 : vector<16xi1>, vector<16xf32>
    %broadcast_in_dim3A_141 = arith.constant 0 : i32
    %broadcast_in_dim3A_142 = vector.broadcast %broadcast_in_dim3A_141 : i32 to vector<16xi32>
    %gather3A_143 = tpu.vector_load_idx %arg9[%add3A_99, %broadcast_in_dim3A_142] : memref<32x32xf32, #tpu.memory_space<vmem>>[vector<16xi32>, vector<16xi32>], vector<16xf32>,
    %select_n3A_144 = arith.select %eq3A_136, %gather3A_143, %broadcast_in_dim3A_3 : vector<16xi1>, vector<16xf32>
    %max3A_145 = arith.maximumf %select_n3A_140, %select_n3A_144 : vector<16xf32>
    %reduce_max3A_146 = arith.constant true
    %reduce_max3A_147 = vector.broadcast %reduce_max3A_146 : i1 to vector<16xi1>
    %reduce_max3A_148 = tpu.scan <max>, %max3A_145 masked %reduce_max3A_147 : vector<16xf32>, vector<16xi1> -> vector<16xf32>
    %reduce_max3A_149 = vector.extract %reduce_max3A_148[15] : f32 from vector<16xf32>
    %broadcast_in_dim3A_150 = arith.constant 1 : i32
    %broadcast_in_dim3A_151 = vector.broadcast %broadcast_in_dim3A_150 : i32 to vector<16xi32>
    %gather3A_152 = tpu.vector_load_idx %arg9[%iota3A, %broadcast_in_dim3A_151] : memref<32x32xf32, #tpu.memory_space<vmem>>[vector<16xi32>, vector<16xi32>], vector<16xf32>,
    %select_n3A_153 = arith.select %eq3A_134, %gather3A_152, %broadcast_in_dim3A_3 : vector<16xi1>, vector<16xf32>
    %broadcast_in_dim3A_154 = arith.constant 1 : i32
    %broadcast_in_dim3A_155 = vector.broadcast %broadcast_in_dim3A_154 : i32 to vector<16xi32>
    %gather3A_156 = tpu.vector_load_idx %arg9[%add3A_99, %broadcast_in_dim3A_155] : memref<32x32xf32, #tpu.memory_space<vmem>>[vector<16xi32>, vector<16xi32>], vector<16xf32>,
    %select_n3A_157 = arith.select %eq3A_136, %gather3A_156, %broadcast_in_dim3A_3 : vector<16xi1>, vector<16xf32>
    %max3A_158 = arith.maximumf %select_n3A_153, %select_n3A_157 : vector<16xf32>
    %reduce_max3A_159 = arith.constant true
    %reduce_max3A_160 = vector.broadcast %reduce_max3A_159 : i1 to vector<16xi1>
    %reduce_max3A_161 = tpu.scan <max>, %max3A_158 masked %reduce_max3A_160 : vector<16xf32>, vector<16xi1> -> vector<16xf32>
    %reduce_max3A_162 = vector.extract %reduce_max3A_161[15] : f32 from vector<16xf32>
    %broadcast_in_dim3A_163 = arith.constant 2 : i32
    %broadcast_in_dim3A_164 = vector.broadcast %broadcast_in_dim3A_163 : i32 to vector<16xi32>
    %gather3A_165 = tpu.vector_load_idx %arg9[%iota3A, %broadcast_in_dim3A_164] : memref<32x32xf32, #tpu.memory_space<vmem>>[vector<16xi32>, vector<16xi32>], vector<16xf32>,
    %select_n3A_166 = arith.select %eq3A_134, %gather3A_165, %broadcast_in_dim3A_3 : vector<16xi1>, vector<16xf32>
    %broadcast_in_dim3A_167 = arith.constant 2 : i32
    %broadcast_in_dim3A_168 = vector.broadcast %broadcast_in_dim3A_167 : i32 to vector<16xi32>
    %gather3A_169 = tpu.vector_load_idx %arg9[%add3A_99, %broadcast_in_dim3A_168] : memref<32x32xf32, #tpu.memory_space<vmem>>[vector<16xi32>, vector<16xi32>], vector<16xf32>,
    %select_n3A_170 = arith.select %eq3A_136, %gather3A_169, %broadcast_in_dim3A_3 : vector<16xi1>, vector<16xf32>
    %max3A_171 = arith.maximumf %select_n3A_166, %select_n3A_170 : vector<16xf32>
    %reduce_max3A_172 = arith.constant true
    %reduce_max3A_173 = vector.broadcast %reduce_max3A_172 : i1 to vector<16xi1>
    %reduce_max3A_174 = tpu.scan <max>, %max3A_171 masked %reduce_max3A_173 : vector<16xf32>, vector<16xi1> -> vector<16xf32>
    %reduce_max3A_175 = vector.extract %reduce_max3A_174[15] : f32 from vector<16xf32>
    %broadcast_in_dim3A_176 = arith.constant 3 : i32
    %broadcast_in_dim3A_177 = vector.broadcast %broadcast_in_dim3A_176 : i32 to vector<16xi32>
    %eq3A_178 = arith.cmpi eq, %iota3A, %broadcast_in_dim3A_177 : vector<16xi32>
    %broadcast_in_dim3A_179 = vector.broadcast %reduce_min3A_132 : i32 to vector<16xi32>
    %select_n3A_180 = arith.select %eq3A_178, %broadcast_in_dim3A_179, %scan3A_87 : vector<16xi1>, vector<16xi32>
    %swap3A_181 = arith.constant 496 : index
    %swap3A_182 = tpu.vector_load %arg10[%swap3A_181] {strides = array<i32>} : memref<512xi32, #tpu.memory_space<vmem>>, vector<16xi32>,
    tpu.vector_store %arg10[%swap3A_181], %select_n3A_180 {strides = array<i32>} : memref<512xi32, #tpu.memory_space<vmem>>, vector<16xi32>,
    %broadcast_in_dim3A_183 = arith.constant 0.000000e+00 : f32
    %broadcast_in_dim3A_184 = vector.broadcast %broadcast_in_dim3A_183 : f32 to vector<16xf32>
    %broadcast_in_dim3A_185 = arith.constant 1 : i32
    %broadcast_in_dim3A_186 = vector.broadcast %broadcast_in_dim3A_185 : i32 to vector<16xi32>
    %eq3A_187 = arith.cmpi eq, %iota3A, %broadcast_in_dim3A_186 : vector<16xi32>
    %broadcast_in_dim3A_188 = arith.constant 0.000000e+00 : f32
    %broadcast_in_dim3A_189 = vector.broadcast %broadcast_in_dim3A_188 : f32 to vector<16xf32>
    %select_n3A_190 = arith.select %eq3A_187, %broadcast_in_dim3A_189, %broadcast_in_dim3A_184 : vector<16xi1>, vector<16xf32>
    %broadcast_in_dim3A_191 = arith.constant 2 : i32
    %broadcast_in_dim3A_192 = vector.broadcast %broadcast_in_dim3A_191 : i32 to vector<16xi32>
    %eq3A_193 = arith.cmpi eq, %iota3A, %broadcast_in_dim3A_192 : vector<16xi32>
    %broadcast_in_dim3A_194 = arith.constant 0.000000e+00 : f32
    %broadcast_in_dim3A_195 = vector.broadcast %broadcast_in_dim3A_194 : f32 to vector<16xf32>
    %select_n3A_196 = arith.select %eq3A_193, %broadcast_in_dim3A_195, %select_n3A_190 : vector<16xi1>, vector<16xf32>
    %broadcast_in_dim3A_197 = arith.constant 3 : i32
    %broadcast_in_dim3A_198 = vector.broadcast %broadcast_in_dim3A_197 : i32 to vector<16xi32>
    %eq3A_199 = arith.cmpi eq, %iota3A, %broadcast_in_dim3A_198 : vector<16xi32>
    %broadcast_in_dim3A_200 = arith.constant 0xFF800000 : f32
    %broadcast_in_dim3A_201 = vector.broadcast %broadcast_in_dim3A_200 : f32 to vector<16xf32>
    %select_n3A_202 = arith.select %eq3A_199, %broadcast_in_dim3A_201, %select_n3A_196 : vector<16xi1>, vector<16xf32>
    %broadcast_in_dim3A_203 = arith.constant 4 : i32
    %broadcast_in_dim3A_204 = vector.broadcast %broadcast_in_dim3A_203 : i32 to vector<16xi32>
    %eq3A_205 = arith.cmpi eq, %iota3A, %broadcast_in_dim3A_204 : vector<16xi32>
    %broadcast_in_dim3A_206 = arith.constant 1.000000e+09 : f32
    %broadcast_in_dim3A_207 = vector.broadcast %broadcast_in_dim3A_206 : f32 to vector<16xf32>
    %select_n3A_208 = arith.select %eq3A_205, %broadcast_in_dim3A_207, %select_n3A_202 : vector<16xi1>, vector<16xf32>
    %broadcast_in_dim3A_209 = arith.constant 5 : i32
    %broadcast_in_dim3A_210 = vector.broadcast %broadcast_in_dim3A_209 : i32 to vector<16xi32>
    %eq3A_211 = arith.cmpi eq, %iota3A, %broadcast_in_dim3A_210 : vector<16xi32>
    %broadcast_in_dim3A_212 = arith.constant 5.010000e+02 : f32
    %broadcast_in_dim3A_213 = vector.broadcast %broadcast_in_dim3A_212 : f32 to vector<16xf32>
    %select_n3A_214 = arith.select %eq3A_211, %broadcast_in_dim3A_213, %select_n3A_208 : vector<16xi1>, vector<16xf32>
    %swap3A_215 = arith.constant 0 : index
    %swap3A_216 = tpu.vector_load %arg8[%swap3A_215] {strides = array<i32>} : memref<16xf32, #tpu.memory_space<vmem>>, vector<16xf32>,
    tpu.vector_store %arg8[%swap3A_215], %select_n3A_214 {strides = array<i32>} : memref<16xf32, #tpu.memory_space<vmem>>, vector<16xf32>,
    %eq3A_217 = arith.constant 0 : i32
    %eq3A_218 = arith.constant 0 : i32
    %eq3A_219 = arith.cmpi eq, %eq3A_217, %eq3A_218 : i32
    %convert_element_type3A_220 = arith.extui %eq3A_219 : i1 to i32
    %cond3A_221 = arith.constant 0 : i32
    %cond3A_222 = arith.cmpi ne, %convert_element_type3A_220, %cond3A_221 : i32
    scf.if %cond3A_222 {
      %dma_start3A = arith.constant 0 : i32
      %dma_start3A_240 = tpu.memref_slice %arg11[%add3A, %dma_start3A] : memref<32x32xf32, #tpu.memory_space<hbm>> -> memref<1x16xf32, #tpu.memory_space<hbm>>
      %dma_start3A_241 = tpu.memref_squeeze %dma_start3A_240 : memref<1x16xf32, #tpu.memory_space<hbm>> -> memref<16xf32, #tpu.memory_space<hbm>>
      %dma_start3A_242 = arith.constant 0 : i32
      %dma_start3A_243 = tpu.memref_slice %arg11[%add3A, %dma_start3A_242] : memref<32x32xf32, #tpu.memory_space<hbm>> -> memref<1x16xf32, #tpu.memory_space<hbm>>
      %dma_start3A_244 = tpu.memref_squeeze %dma_start3A_243 : memref<1x16xf32, #tpu.memory_space<hbm>> -> memref<16xf32, #tpu.memory_space<hbm>>
      tpu.enqueue_dma source(%arg8 : memref<16xf32, #tpu.memory_space<vmem>>) target(%dma_start3A_244 : memref<16xf32, #tpu.memory_space<hbm>>) target_semaphore(%arg13 : memref<!tpu.dma_semaphore, #tpu.memory_space<semaphore_mem>>)
    } else {
    }
    %eq3A_223 = arith.constant 0 : i32
    %eq3A_224 = arith.constant 1 : i32
    %eq3A_225 = arith.cmpi eq, %eq3A_223, %eq3A_224 : i32
    %convert_element_type3A_226 = arith.extui %eq3A_225 : i1 to i32
    %cond3A_227 = arith.constant 0 : i32
    %cond3A_228 = arith.cmpi ne, %convert_element_type3A_226, %cond3A_227 : i32
    scf.if %cond3A_228 {
      %dma_start3A = arith.constant 0 : i32
      %dma_start3A_240 = tpu.memref_slice %arg12[%add3A, %dma_start3A] : memref<32x32xf32, #tpu.memory_space<hbm>> -> memref<1x16xf32, #tpu.memory_space<hbm>>
      %dma_start3A_241 = tpu.memref_squeeze %dma_start3A_240 : memref<1x16xf32, #tpu.memory_space<hbm>> -> memref<16xf32, #tpu.memory_space<hbm>>
      %dma_start3A_242 = arith.constant 0 : i32
      %dma_start3A_243 = tpu.memref_slice %arg12[%add3A, %dma_start3A_242] : memref<32x32xf32, #tpu.memory_space<hbm>> -> memref<1x16xf32, #tpu.memory_space<hbm>>
      %dma_start3A_244 = tpu.memref_squeeze %dma_start3A_243 : memref<1x16xf32, #tpu.memory_space<hbm>> -> memref<16xf32, #tpu.memory_space<hbm>>
      tpu.enqueue_dma source(%arg8 : memref<16xf32, #tpu.memory_space<vmem>>) target(%dma_start3A_244 : memref<16xf32, #tpu.memory_space<hbm>>) target_semaphore(%arg13 : memref<!tpu.dma_semaphore, #tpu.memory_space<semaphore_mem>>)
    } else {
    }
    %dma_wait3A_229 = arith.constant 0 : i32
    %dma_wait3A_230 = tpu.memref_slice %arg11[%add3A, %dma_wait3A_229] : memref<32x32xf32, #tpu.memory_space<hbm>> -> memref<1x16xf32, #tpu.memory_space<hbm>>
    %dma_wait3A_231 = tpu.memref_squeeze %dma_wait3A_230 : memref<1x16xf32, #tpu.memory_space<hbm>> -> memref<16xf32, #tpu.memory_space<hbm>>
    %dma_wait3A_232 = arith.constant 0 : i32
    %dma_wait3A_233 = tpu.memref_slice %arg11[%add3A, %dma_wait3A_232] : memref<32x32xf32, #tpu.memory_space<hbm>> -> memref<1x16xf32, #tpu.memory_space<hbm>>
    %dma_wait3A_234 = tpu.memref_squeeze %dma_wait3A_233 : memref<1x16xf32, #tpu.memory_space<hbm>> -> memref<16xf32, #tpu.memory_space<hbm>>
    tpu.wait_dma2 semaphore(%arg13 : memref<!tpu.dma_semaphore, #tpu.memory_space<semaphore_mem>>) src(%arg8 : memref<16xf32, #tpu.memory_space<vmem>>) dst(%dma_wait3A_234 : memref<16xf32, #tpu.memory_space<hbm>>)
    %eq3A_235 = arith.constant 0 : i32
    %eq3A_236 = arith.cmpi eq, %add3A, %eq3A_235 : i32
    %convert_element_type3A_237 = arith.extui %eq3A_236 : i1 to i32
    %cond3A_238 = arith.constant 0 : i32
    %cond3A_239 = arith.cmpi ne, %convert_element_type3A_237, %cond3A_238 : i32
    scf.if %cond3A_239 {
      "tpu.region"() ({
        %run_scoped3A = tpu.sem_alloc : memref<!tpu.dma_semaphore, #tpu.memory_space<semaphore_mem>>
        tpu.enqueue_dma source(%arg10 : memref<512xi32, #tpu.memory_space<vmem>>) target(%arg3 : memref<512xi32, #tpu.memory_space<hbm>>) target_semaphore(%run_scoped3A : memref<!tpu.dma_semaphore, #tpu.memory_space<semaphore_mem>>)
        tpu.wait_dma2 semaphore(%run_scoped3A : memref<!tpu.dma_semaphore, #tpu.memory_space<semaphore_mem>>) src(%arg10 : memref<512xi32, #tpu.memory_space<vmem>>) dst(%arg3 : memref<512xi32, #tpu.memory_space<hbm>>)
        tpu.yield
      }) : () -> ()
    } else {
    }
    return
  }
}

</mosaic_0001>

<sc_bundles>
// kernel: kernel.3.cloned.1.call-start
scs
__scs_entry_jumppad:
0x0: {  	(pc) =	sbr.rel $0x88, $3  }
0x1: {  	(tag) =	ssettag $0x0;
	lr =	simm.s32 $0x1  }
0x2: {  	[smem:$0x3FA0] =	sst lr;
	_ =	strace $0xD0000000  }
0x3: {  	_ = 	snop  }
0x4: {  	_ = 	snop  }
0x5: {  	_ = 	snop  }
0x6: {  	_ = 	snop  }
0x7: {  	_ = 	snop  }
__scs_overlays_trampoline_lowered:
0x8: {  	[smem:$0x3FAF] =	sst s0  }
0x9: {  	[smem:$0x3FB0] =	sst s1  }
0xa: {  	[smem:$0x3FB1] =	sst s2  }
0xb: {  	[smem:$0x3FB2] =	sst s3  }
0xc: {  	[smem:$0x3FB3] =	sst s4  }
0xd: {  	[smem:$0x3FB4] =	sst s5  }
0xe: {  	[smem:$0x3FB5] =	sst s6  }
0xf: {  	[smem:$0x3FB6] =	sst s7  }
0x10: {  	[smem:$0x3FB7] =	sst s8  }
0x11: {  	[smem:$0x3FB8] =	sst s9;
	s0 =	simm.s32 @!p0 $0x0  }
0x12: {  	s1 =	sld [smem:$0x3F9E];
	s0 =	simm.s32 @p0 $0x1  }
0x13: {  	[smem:$0x3FB9] =	sst s0;
	s0 =	simm.s32 @!p1 $0x0  }
0x14: {  	s2 =	sld [smem:$0x3F9D];
	s0 =	simm.s32 @p1 $0x1  }
0x15: {  	[smem:$0x3FBA] =	sst s0;
	s0 =	simm.s32 @!p2 $0x0  }
0x16: {  	s3 =	sld [smem:$0x3FDB];
	s0 =	simm.s32 @p2 $0x1  }
0x17: {  	s4 =	simm.s32 $0x1BF5;
	[smem:$0x3FBC] =	sst s0  }
0x18: {  	s0 =	sld [smem:$0x3F9F];
	_ =	swait.ge [sflag:s4], $0x0  }
0x19: {  	s7 =	sld [smem:$0x3FA0]  }
0x1a: {  	s8 =	sadd.s32 $0xFFFFE003, lr  }
0x1b: {  	s9 =	sadd.s32 $0xFFFFFEF7, lr;
	s5 =	simm.s32 $0xFFFFFFFF;
	p2 =	slt.u32 s8, $0xFFFFF086  }
0x1c: {  	p1 =	slt.u32 s9, $0xF7A;
	s5 =	simm.s32 @!p2 $0x0  }
0x1d: {  	s5 =	simm.s32 @p1 $0x1;
	p0 =	seq.s32 s7, s2  }
0x1e: {  	s7 =	smul.u32 @!p0 $0xF7A, s2;
	p2 =	seq.s32 @!p0 s5, $0x0  }
0x1f: {  	s9 =	smul.u32 $0xF7A, s1;
	s8 =	simm.s32 @!p0 $0x1BF5;
	p2 =	por !p2, p0  }
0x20: {  	[sflag:s8] =	ssyncset.s32 @!p0 $0xFFFFF086;
	s6 =	sadd.s32 @!p0 s3, s7;
	s7 =	simm.s32 @!p0 $0x108  }
0x21: {  	s3 =	sadd.s32 s3, s9;
	s6 =	sadd.s32 @!p0 $0x88, s6;
	s7 =	simm.s32 @p2 $0x1082  }
0x22: {  	[simem:s7], [sflag:s8] =	dma.local @!p0 [hbm:s6], $0xF7A  }
0x23: {  	s9 =	sor.u32 $0xD0000000, s2;
	s6 =	simm.s32 $0x108;
	_ =	swait.ge @!p0 [sflag:s8], $0x0  }
0x24: {  	s3 =	sadd.s32 $0x88, s3;
	s6 =	simm.s32 @!p1 $0x1082;
	[sflag:s4] =	ssyncset.s32 $0xFFFFF086  }
0x25: {  	[simem:s6], [sflag:s4] =	dma.local [hbm:s3], $0xF7A  }
0x26: {  	[smem:$0x3FA0] =	sst s1;
	(tag) =	ssettag s2;
	_ =	strace s9  }
0x27: {  	s1 =	sld [smem:$0x3FB0]  }
0x28: {  	s2 =	sld [smem:$0x3FB1]  }
0x29: {  	s4 =	sld [smem:$0x3FB3]  }
0x2a: {  	p0 =	seq.s32 s5, $0x0;
	s5 =	sld [smem:$0x3FB4]  }
0x2b: {  	s6 =	sld [smem:$0x3FB5]  }
0x2c: {  	s7 =	sld [smem:$0x3FB6]  }
0x2d: {  	s3 =	simm.s32 $0x108;
	s8 =	sld [smem:$0x3FB7]  }
0x2e: {  	s3 =	simm.s32 @!p0 $0x1082;
	s9 =	sld [smem:$0x3FB8]  }
0x2f: {  	lr =	sadd.s32 s0, s3;
	s0 =	sld [smem:$0x3FAF]  }
0x30: {  	s3 =	sld [smem:$0x3FB2]  }
0x31: {  	[smem:$0x3FBB] =	sst s10  }
0x32: {  	s10 =	sld [smem:$0x3FB9];
	_ =	sdelay $0x3  }
0x33: {  	p0 =	seq.s32 s10, $0x1;
	s10 =	sld [smem:$0x3FBB];
	_ =	sdelay $0x3  }
0x34: {  	[smem:$0x3FBB] =	sst s10  }
0x35: {  	s10 =	sld [smem:$0x3FBA];
	_ =	sdelay $0x3  }
0x36: {  	p1 =	seq.s32 s10, $0x1;
	s10 =	sld [smem:$0x3FBB];
	_ =	sdelay $0x3  }
0x37: {  	[smem:$0x3FBB] =	sst s10  }
0x38: {  	s10 =	sld [smem:$0x3FBC]  }
0x39: {  	_ = 	snop;
	(pc) =	sbr.ind lr, $3  }
0x3a: {  	_ = 	snop  }
0x3b: {  	_ = 	snop  }
0x3c: {  	p2 =	seq.s32 s10, $0x1;
	s10 =	sld [smem:$0x3FBB]  }
0x3d: {  	_ =	shalt  }
0x3e: {  	_ =	shalt  }
0x3f: {  	_ =	shalt  }
0x40: {  	_ =	shalt  }
0x41: {  	_ =	shalt  }
0x42: {  	_ =	shalt  }
0x43: {  	_ =	shalt  }
0x44: {  	_ =	shalt  }
0x45: {  	_ =	shalt  }
0x46: {  	_ =	shalt  }
0x47: {  	_ =	shalt  }
0x48: {  	_ =	shalt  }
0x49: {  	_ =	shalt  }
0x4a: {  	_ =	shalt  }
0x4b: {  	_ =	shalt  }
0x4c: {  	_ =	shalt  }
0x4d: {  	_ =	shalt  }
0x4e: {  	_ =	shalt  }
0x4f: {  	_ =	shalt  }
0x50: {  	_ =	shalt  }
0x51: {  	_ =	shalt  }
0x52: {  	_ =	shalt  }
0x53: {  	_ =	shalt  }
0x54: {  	_ =	shalt  }
0x55: {  	_ =	shalt  }
0x56: {  	_ =	shalt  }
0x57: {  	_ =	shalt  }
0x58: {  	_ =	shalt  }
0x59: {  	_ =	shalt  }
0x5a: {  	_ =	shalt  }
0x5b: {  	_ =	shalt  }
0x5c: {  	_ =	shalt  }
0x5d: {  	_ =	shalt  }
0x5e: {  	_ =	shalt  }
0x5f: {  	_ =	shalt  }
0x60: {  	_ =	shalt  }
0x61: {  	_ =	shalt  }
0x62: {  	_ =	shalt  }
0x63: {  	_ =	shalt  }
0x64: {  	_ =	shalt  }
0x65: {  	_ =	shalt  }
0x66: {  	_ =	shalt  }
0x67: {  	_ =	shalt  }
0x68: {  	_ =	shalt  }
0x69: {  	_ =	shalt  }
0x6a: {  	_ =	shalt  }
0x6b: {  	_ =	shalt  }
0x6c: {  	_ =	shalt  }
0x6d: {  	_ =	shalt  }
0x6e: {  	_ =	shalt  }
0x6f: {  	_ =	shalt  }
0x70: {  	_ =	shalt  }
0x71: {  	_ =	shalt  }
0x72: {  	_ =	shalt  }
0x73: {  	_ =	shalt  }
0x74: {  	_ =	shalt  }
0x75: {  	_ =	shalt  }
0x76: {  	_ =	shalt  }
0x77: {  	_ =	shalt  }
0x78: {  	_ =	shalt  }
0x79: {  	_ =	shalt  }
0x7a: {  	_ =	shalt  }
0x7b: {  	_ =	shalt  }
0x7c: {  	_ =	shalt  }
0x7d: {  	_ =	shalt  }
0x7e: {  	_ =	shalt  }
0x7f: {  	_ =	shalt  }
0x80: {  	_ =	shalt  }
0x81: {  	_ =	shalt  }
0x82: {  	_ =	shalt  }
0x83: {  	_ =	shalt  }
0x84: {  	_ =	shalt  }
0x85: {  	_ =	shalt  }
0x86: {  	_ =	shalt  }
0x87: {  	_ =	shalt  }
.Lfunc_end0:
.L_simem_size_0:
called_computation_lowered:
.L_overlay_start_0:
0x88: {  	s2 =	sld [smem:$0x3FD9]  }
0x89: {  	s3 =	sld [smem:$0x3FFE];
	_ =	sdelay $0x1  }
0x8a: {  	s1 =	srdreg.scid  }
0x8b: {  	s0 =	sand.u32 $0x1, s1  }
0x8c: {  	s17 =	sshll.u32 s0, $0xA;
	s2 =	sadd.s32 s3, s2  }
0x8d: {  	s3 =	sadd.s32 s2, s17  }
0x8e: {  	[smem:$0x3FC7] =	sst s3  }
0x8f: {  	_ = 	snop  }
0x90: {  	s3 =	sld [smem:$0x3FD0];
	(tm) =	ssettm $0x1  }
0x91: {  	s4 =	sld [smem:$0x3FFB];
	_ =	sdelay $0x3  }
0x92: {  	_ =	strace s4  }
0x93: {  	s4 =	sld [smem:$0x3FFC];
	_ =	sdelay $0x3  }
0x94: {  	_ =	strace s4  }
0x95: {  	s4 =	sld [smem:$0x3FFD];
	_ =	sdelay $0x3  }
0x96: {  	_ =	strace s4  }
0x97: {  	_ =	strace $0x8FFFFFFF  }
0x98: {  	s18 =	sld [smem:$0x3FDB];
	_ =	sdelay $0x1  }
0x99: {  	s5 =	simm.s32 $_scs_section_size  }
0x9a: {  	s6 =	simm.s32 $_size__tile_overlayer_lowered;
	s7 =	simm.s32 $_tile_overlayer_lowered  }
0x9b: {  	s21 =	simm.s32 $0x1BFF;
	s20 =	sshll.u32 s7, $0x1;
	s4 =	sadd.s32 s5, s18  }
0x9c: {  	s8 =	simm.s32 $0x0;
	s19 =	sshll.u32 s6, $0x1;
	s6 =	sadd.s32 s20, s4  }
0x9d: {  	[timem:s8], [sflag:s21] =	dma.local [hbm:s6], s19  }
0x9e: {  	_ =	swait.ge [sflag:s21], s19  }
0x9f: {  	s5 =	ssub.s32 $0x0, s19;
	[sflag:s21] =	ssyncset.done $0x0  }
0xa0: {  	[sflag:s21] =	ssyncadd.s32 s5;
	_ =	sdelay $0x1  }
0xa1: {  	s22 =	simm.s32 $0x1B8B  }
0xa2: {  	_ =	swait.ge [sflag:s22], $0x1  }
0xa3: {  	[sflag:s22] =	ssyncset.done $0x0  }
0xa4: {  	s24 =	simm.s32 $0x1B8E;
	s23 =	sld [smem:$0x3FFE];
	[sflag:s22] =	ssyncadd.s32 $0xFFFFFFFF  }
0xa5: {  	s25 =	simm.s32 $execute0_lowered;
	[smem:$0x3FD2] =	sst s24  }
0xa6: {  	s6 =	sshll.u32 s25, $0x1;
	_ =	strace $0x80000046;
	[dreg:$0x1] =	wrdreg $0xFFFFFFFF  }
0xa7: {  	s26 =	simm.s32 $_size_execute0_lowered;
	s4 =	sadd.s32 s4, s6;
	[dreg:$0x0] =	wrdreg $0x0  }
0xa8: {  	s6 =	sshll.u32 s26, $0x1;
	[dreg:$0x2] =	wrdreg s4  }
0xa9: {  	[dreg:$0x3] =	wrdreg s6  }
0xaa: {  	[dreg:$0x4] =	wrdreg $0xC0  }
0xab: {  	_ =	task [dreg:s8], $0x5FFFF  }
0xac: {  	[dreg:$0x1] =	wrdreg $0xFFFFFFFF  }
0xad: {  	[dreg:$0x0] =	wrdreg $0x60  }
0xae: {  	[dreg:$0x2] =	wrdreg s23  }
0xaf: {  	s28 =	sadd.s32 $0x800, s2;
	[dreg:$0x3] =	wrdreg s3  }
0xb0: {  	s2 =	sadd.s32 $0xA00, s2;
	[dreg:$0x4] =	wrdreg s28  }
0xb1: {  	[dreg:$0x5] =	wrdreg s2  }
0xb2: {  	[dreg:$0x6] =	wrdreg $0x9  }
0xb3: {  	_ =	task.clear_ibuf [dreg:s8], $0x7FFFF;
	_ =	strace $0x90000046  }
0xb4: {  	s29 =	simm.s32 $0x9;
	_ =	strace $0x80000048  }
0xb5: {  	_ =	swait.ge [sflag:s29], $0x1  }
0xb6: {  	[sflag:s29] =	ssyncadd.s32 $0xFFFFFFFF  }
0xb7: {  	_ =	strace $0x90000048  }
0xb8: {  	_ =	sfence  }
0xb9: {  	s30 =	sld [smem:$0x0];
	_ =	sdelay $0x2  }
0xba: {  	s31 =	sshll.u32 s1, $0xD;
	s1 =	sshrl.u32 s1, $0x2  }
0xbb: {  	s3 =	sand.u32 $0x4000, s31;
	s1 =	sadd.s32 s1, s30  }
0xbc: {  	s0 =	sor.u32 s3, s0;
	s1 =	sshll.u32 s1, $0x11  }
0xbd: {  	s0 =	sor.u32 s1, s0  }
0xbe: {  	s0 =	sadd.s32 $0x8F2B, s0  }
0xbf: {  	[sflag:s0] =	ssyncadd.remote.s32 $0x1  }
0xc0: {  	_ =	sfence.sel $0xFFFF  }
0xc1: {  	[dreg:$0x0] =	wrdreg $0xFFFFFFFF;
	(pc) =	sbr.abs _section_cstart, $3  }
0xc2: {  	[dreg:$0x1] =	wrdreg $0xFFFFFFFF  }
0xc3: {  	_ =	task.clear_ibuf [dreg:s8], $0x2FFFF;
	_ =	strace $0x9FFFFFFF  }
0xc4: {  	(tm) =	ssettm $0x7FFFFFFF  }
0xc5: {  	_ =	shalt  }
tec
execute0_lowered:
.L_overlay_start_1:
0x0: {  	(tag) =	ssettag $0x1  }
0x1: {  	s7 =	rddreg [dreg:$0x0]  }
0x2: {  	s1 =	rddreg [dreg:$0x1]  }
0x3: {  	s3 =	rddreg [dreg:$0x2]  }
0x4: {  	s0 =	srdreg.scid;
	s4 =	rddreg [dreg:$0x3];
	s6 =	simm.s32 $0x0  }
0x5: {  	s12 =	simm.s32 $0x0;
	s16 =	simm.s32 $0x1880;
	s17 =	simm.s32 $0x3100  }
0x6: {  	s19 =	simm.s32 $0x6200;
	s20 =	simm.s32 $0x6280;
	s21 =	simm.s32 $0x1  }
0x7: {  	s9 =	sand.u32 $0x1, s0;
	s0 =	stileid.u32;
	[smem:$0x7FF] =	sst s6  }
0x8: {  	v0 =	vlaneseq.u32;
	s2 =	sshll.u32 s9, $0x4;
	s10 =	ssub.s32 $0x2, s9;
	s14 =	smul.u32 $0x18800, s9  }
0x9: {  	v2 =	vimm.f32 $+Inf;
	vm0 =	vmmov $0x1;
	vm1 =	vcmask $0x318;
	s9 =	simm.f32 $+Inf;
	s15 =	smul.u32 $0x1880, s0;
	s22 =	sor.u32 s0, s2  }
0xa: {  	vm2 =	vcmask $0x718;
	v5 =	vimm.f32 $0.0e+00;
	vm3 =	vcmask $0xF0C;
	s2 =	rddreg [dreg:$0x4];
	s31 =	sshrl.u32 s10, $0x1;
	s5 =	smul.u32 $0x1880, s22  }
0xb: {  	v1 =	vmul.u32 $0x80, v0;
	v14 =	vsel vm3, $0xFF800000, v5;
	vm3 =	vcmask $0x1310;
	_ =	strace $0x80000047;
	s13 =	ssub.s32 s10, s31;
	p0 =	seq.s32 s22, $0x0  }
0xc: {  	vm4 =	vcmask $0x1714;
	v15 =	vsel vm3, $0x4E6E6B28, v14;
	vm3 =	vcmask $0xB18;
	s14 =	sadd.s32 s15, s14;
	s15 =	simm.s32 $0x2;
	s8 =	sshrl.u32 s5, $0x3  }
0xd: {  	v3 =	vor.u32 $0x5, v1;
	v4 =	vor.u32 $0x805, v1;
	v6 =	vor.u32 $0x3, v1;
	s12 =	simm.s32 @!p0 $0x3B9ACA00;
	s9 =	simm.s32 @!p0 $0xFF800000;
	s11 =	sadd.s32 s8, s7  }
0xe: {  	v7 =	vor.u32 $0x803, v1;
	v8 =	vor.u32 $0x4, v1;
	v9 =	vor.u32 $0x804, v1;
	s13 =	smax.u32 s13, $0x1;
	s7 =	sadd.s32 $0x400, s11;
	s8 =	sadd.s32 $0x6600, s11  }
0xf: {  	v10 =	vor.u32 $0x800, v1;
	v11 =	vor.u32 $0x1, v1;
	v12 =	vor.u32 $0x801, v1;
	s10 =	sadd.s32 $0xC800, s11;
	s11 =	scvt.s32.f32 s12;
	s12 =	sshll.u32 s22, $0x4  }
0x10: {  	v13 =	vor.u32 $0x2, v1;
	v14 =	vor.u32 $0x802, v1;
	v15 =	vsel vm4, $0x43FA8000, v15;
	p0 =	sne.s32 s22, $0x0;
	s22 =	simm.s32 $0x0;
	s18 =	sadd.s32 s12, s3  }
.LBB2_1:
0x11: {  	[tilespmem:s6], [sflag:$0x2] =	stream.linear.gather [hbm4b:s7+s6], $0x1880, $0x38;
	[tilespmem:$0x7480] =	vst v63  }
0x12: {  	_ =	swait.ge [sflag:s15], $0x1880  }
0x13: {  	[sflag:s15] =	ssyncset.done $0x0  }
0x14: {  	[sflag:s15] =	ssyncadd.s32 $0xFFFFE780  }
0x15: {  	[tilespmem:s16], [sflag:$0x2] =	stream.linear.gather [hbm4b:s8+s6], $0x1880, $0x38;
	[tilespmem:$0x7480] =	vst v63  }
0x16: {  	_ =	swait.ge [sflag:s15], $0x1880  }
0x17: {  	[sflag:s15] =	ssyncset.done $0x0  }
0x18: {  	[sflag:s15] =	ssyncadd.s32 $0xFFFFE780  }
0x19: {  	[tilespmem:s17], [sflag:$0x2] =	stream.linear.gather [hbm4b:s10+s6], $0x1880, $0x38;
	[tilespmem:$0x7480] =	vst v63  }
0x1a: {  	_ =	swait.ge [sflag:s15], $0x1880  }
0x1b: {  	p1 =	slt.u32 s14, $0x30D40;
	s23 =	simm.s32 $0x40;
	[sflag:s15] =	ssyncset.done $0x0  }
0x1c: {  	s25 =	simm.s32 $0x0;
	s24 =	smov.u32 s14;
	v16 =	vpsel !p1, $0xFF800000, v2;
	[sflag:s15] =	ssyncadd.s32 $0xFFFFE780  }
.LBB2_2:
0x1d: {  	p1 =	sne.s32 s23, $0x61C0  }
0x1e: {  	[tilespmem:s25+$0x4980] =	vst v16;
	s24 =	sadd.s32 $0x10, s24;
	s25 =	smov.u32 s23;
	s23 =	sadd.s32 $0x40, s23  }
.Ltmp0:
0x1f: {  	(pc) =	sbr.rel @p1 .LBB2_2-.Ltmp0, $3  }
0x20: {  	_ =	sdelay $0x1  }
0x21: {  	p2 =	slt.u32 s24, $0x30D40  }
0x22: {  	s25 =	sshra.s32 s25, $0x2;
	v16 =	vpsel !p2, $0xFF800000, v2  }
0x23: {  	[tilespmem:s25+$0x4980] =	vst v16  }
0x24: {  	v16 =	vld [tilespmem:$0x0]  }
0x25: {  	v17 =	vld [tilespmem:$0x1880]  }
0x26: {  	v18 =	vld [tilespmem:$0x3100];
	_ =	sdelay $0x2  }
0x27: {  	v16 =	vnsel vm0, $0xFF800000, v16  }
0x28: {  	(xrf0) =	vmax.scan.msk.f32 $0xffff, v16;
	v16 =	vnsel vm0, $0xFF800000, v17  }
0x29: {  	(xrf0) =	vmax.scan.msk.f32 $0xffff, v16;
	v16 =	vnsel vm0, $0xFF800000, v18  }
0x2a: {  	(xrf0) =	vmax.scan.msk.f32 $0xffff, v16;
	_ =	sdelay $0x3  }
0x2b: {  	v16, _, _ =	vpop (xrf0)  }
0x2c: {  	v17, _, _ =	vpop (xrf0)  }
0x2d: {  	v16 =	vbroadcast v16, $0xF;
	v18, _, _ =	vpop (xrf0);
	v17 =	vbroadcast v17, $0xF  }
0x2e: {  	v18 =	vbroadcast v18, $0xF  }
0x2f: {  	v16 =	vsel vm1, v16, v17  }
0x30: {  	vm4 =	veq.s32 v0, $0x3;
	v16 =	vsel vm2, v16, v18  }
0x31: {  	vm5 =	veq.s32 v0, $0x5;
	v16 =	vsel vm4, s9, v16  }
0x32: {  	vm4 =	veq.s32 v0, $0x4;
	v16 =	vsel vm5, $0x3F800000, v16  }
0x33: {  	v16 =	vsel vm4, s11, v16  }
0x34: {  	s24 =	simm.s32 $0x0;
	[tilespmem:$0x6200] =	vst v16  }
0x35: {  	v16 =	vimm.s32 $0x0;
	[hbm4b:s18+s24] =	stream.linear.scatter [tilespmem:s19], [sflag:$0x1], $0x10, $0x38;
	[tilespmem:$0x7480] =	vst v63  }
.LBB2_4:
0x36: {  	s23 =	sadd.s32 $0x1, s24  }
0x37: {  	s25 =	sand.u32 $0x1, s24;
	s26 =	scvt.s32.f32 s23  }
0x38: {  	p1 =	seq.s32 s25, $0x1;
	s25 =	smov.u32 s3  }
0x39: {  	s25 =	smov.u32 @p1 s4;
	v17 =	vmov s26  }
.LBB2_5:
0x3a: {  	[tilespmem:s20], [sflag:$0x2] =	stream.linear.gather [hbm4b:s25+s6], $0x1000, $0x38;
	[tilespmem:$0x7480] =	vst v63  }
0x3b: {  	_ =	swait.ge [sflag:s15], $0x1000  }
0x3c: {  	[sflag:s15] =	ssyncset.done $0x0  }
0x3d: {  	[sflag:s15] =	ssyncadd.s32 $0xFFFFF000  }
0x3e: {  	v18 =	vld.idx.msk [tilespmem:v3+s20+$0x0], $0xffff  }
0x3f: {  	v19 =	vld.idx.msk [tilespmem:v4+s20+$0x0], $0xffff;
	_ =	sdelay $0x4  }
0x40: {  	vm4 =	veq.f32 v18, v17;
	vm5 =	veq.f32 v19, v17  }
0x41: {  	vm4 =	vmand vm4, vm5  }
0x42: {  	v18 =	vsel vm4, $0x3F800000, v5  }
0x43: {  	(xrf0) =	vmin.scan.msk.f32 $0xffff, v18;
	_ =	sdelay $0x5  }
0x44: {  	v18, _, _ =	vpop (xrf0)  }
0x45: {  	(v2sf) =	vpush v18, $0xF;
	_ =	sdelay $0xe  }
0x46: {  	s26 =	spop (v2sf)  }
0x47: {  	p1 =	sgt.f32 s26, $0.0e+00  }
.Ltmp1:
0x48: {  	_ = 	snop;
	(pc) =	sbr.rel @!p1 .LBB2_5-.Ltmp1, $1  }
0x49: {  	_ =	sdelay $0x3  }
0x4a: {  	_ = 	snop  }
0x4b: {  	_ =	swait.ge [sflag:s21], $0x10  }
0x4c: {  	[sflag:s21] =	ssyncset.done $0x0  }
0x4d: {  	[sflag:s21] =	ssyncadd.s32 $0xFFFFFFF0  }
0x4e: {  	v17 =	vld.idx.msk [tilespmem:v6+s20+$0x0], $0xffff  }
0x4f: {  	v18 =	vld.idx.msk [tilespmem:v7+s20+$0x0], $0xffff;
	_ =	sdelay $0x4  }
0x50: {  	v19 =	vmax.f32 v17, v18  }
0x51: {  	(xrf0) =	vmax.scan.msk.f32 $0xffff, v19  }
0x52: {  	v20 =	vld.idx.msk [tilespmem:v9+s20+$0x0], $0xffff  }
0x53: {  	v19 =	vld.idx.msk [tilespmem:v8+s20+$0x0], $0xffff;
	_ =	sdelay $0x3  }
0x54: {  	v20 =	vtrunc.f32 v20;
	v21, _, _ =	vpop (xrf0)  }
0x55: {  	v19 =	vtrunc.f32 v19;
	v21 =	vbroadcast v21, $0xF  }
0x56: {  	v20 =	vcvt.f32.s32 v20;
	v19 =	vcvt.f32.s32 v19  }
0x57: {  	vm4 =	veq.f32 v17, v21;
	vm5 =	veq.f32 v18, v21  }
0x58: {  	v17 =	vnsel vm4, $0x3B9ACA00, v19;
	v18 =	vnsel vm5, $0x3B9ACA00, v20  }
0x59: {  	vm4 =	vlt.s32 v17, v18  }
0x5a: {  	v19 =	vsel vm4, v17, v18  }
0x5b: {  	v19 =	vxor.u32 $0x80000000, v19  }
0x5c: {  	(xrf0) =	vmin.scan.msk.u32 $0xffff, v19;
	_ =	sdelay $0x5  }
0x5d: {  	v19, _, _ =	vpop (xrf0)  }
0x5e: {  	(v2sf) =	vpush v19, $0xF;
	_ =	sdelay $0xc  }
0x5f: {  	v20 =	vld.idx.msk [tilespmem:v10+s20+$0x0], $0xffff  }
0x60: {  	v19 =	vld.idx.msk [tilespmem:v1+s20+$0x0], $0xffff  }
0x61: {  	v22 =	vld.idx.msk [tilespmem:v12+s20+$0x0], $0xffff;
	s25 =	spop (v2sf)  }
0x62: {  	v23 =	vld.idx.msk [tilespmem:v14+s20+$0x0], $0xffff;
	s25 =	sxor.u32 $0x80000000, s25  }
0x63: {  	v21 =	vld.idx.msk [tilespmem:v11+s20+$0x0], $0xffff;
	vm4 =	veq.s32 v18, s25  }
0x64: {  	v18 =	vld.idx.msk [tilespmem:v13+s20+$0x0], $0xffff;
	v20 =	vnsel vm4, $0xFF800000, v20  }
0x65: {  	s26 =	sand.u32 $0xF, s24;
	vm5 =	veq.s32 v17, s25;
	v17 =	vmax.f32 v19, v20  }
0x66: {  	v17 =	vsel vm5, v17, v20;
	v20 =	vmov s26  }
0x67: {  	p1 =	sne.s32 s26, $0xF;
	v19 =	vnsel vm4, $0xFF800000, v22;
	v22 =	vnsel vm4, $0xFF800000, v23;
	vm4 =	veq.s32 v20, v0  }
0x68: {  	v21 =	vmax.f32 v21, v19;
	v16 =	vsel vm4, s25, v16;
	s25 =	sand.u32 @!p1 $0x1F0, s24  }
0x69: {  	s26 =	simm.s32 $0x0;
	(xrf0) =	vmax.scan.msk.f32 $0xffff, v17;
	v17 =	vsel vm5, v21, v19;
	v18 =	vmax.f32 v18, v22;
	[tilespmem:s25+$0x7280] =	vst @!p1 v16  }
0x6a: {  	(xrf0) =	vmax.scan.msk.f32 $0xffff, v17;
	v17 =	vsel vm5, v18, v22;
	v20 =	vld [tilespmem:s26+$0x3130]  }
0x6b: {  	(xrf0) =	vmax.scan.msk.f32 $0xffff, v17;
	v21 =	vld [tilespmem:s26+$0x3120]  }
0x6c: {  	v22 =	vld [tilespmem:s26+$0x30]  }
0x6d: {  	v24 =	vld [tilespmem:s26+$0x0]  }
0x6e: {  	v26 =	vld [tilespmem:s26+$0x1880]  }
0x6f: {  	v27 =	vld [tilespmem:s26+$0x20];
	v17, _, _ =	vpop (xrf0)  }
0x70: {  	v29 =	vld [tilespmem:s26+$0x1890];
	v25, _, _ =	vpop (xrf0)  }
0x71: {  	v34 =	vld [tilespmem:s26+$0x18B0];
	v19 =	vbroadcast v17, $0xF;
	v18, _, _ =	vpop (xrf0)  }
0x72: {  	v28 =	vld [tilespmem:s26+$0x3100];
	v18 =	vbroadcast v18, $0xF  }
0x73: {  	v17 =	vbroadcast v25, $0xF;
	v25 =	vld [tilespmem:s26+$0x10];
	v33 =	vsub.f32 v22, v19  }
0x74: {  	v31 =	vld [tilespmem:s26+$0x18A0];
	v27 =	vsub.f32 v27, v19;
	v30 =	vsub.f32 v21, v18  }
0x75: {  	v35 =	vimm.s32 $0x0;
	v23 =	vld [tilespmem:s26+$0x3110];
	v21 =	vsub.f32 v24, v19;
	v24 =	vsub.f32 v26, v17  }
0x76: {  	v62 =	vor.u32 s14, v0;
	v29 =	vsub.f32 v29, v17;
	v34 =	vsub.f32 v34, v17  }
0x77: {  	v22 =	vsub.f32 v28, v18;
	v28 =	vmul.f32 v21, v21;
	v24 =	vmul.f32 v24, v24  }
0x78: {  	v36 =	vld [tilespmem:s26+$0x4980];
	v27 =	vmul.f32 v27, v27;
	v32 =	vsub.f32 v20, v18;
	v25 =	vsub.f32 v25, v19  }
0x79: {  	s25 =	simm.s32 $0x40;
	v61 =	vld [tilespmem:s26+$0x49A0];
	v29 =	vmul.f32 v29, v29;
	v24 =	vadd.f32 v24, v28;
	v28 =	vsub.f32 v31, v17  }
0x7a: {  	v20 =	vld [tilespmem:s25+$0x3130];
	v23 =	vsub.f32 v23, v18;
	v37 =	vmul.f32 v22, v22;
	v25 =	vmul.f32 v25, v25  }
0x7b: {  	v33 =	vmul.f32 v33, v33;
	v26 =	vimm.f32 $-Inf;
	v31 =	vld [tilespmem:s26+$0x4990];
	v28 =	vmul.f32 v28, v28  }
0x7c: {  	v21 =	vld [tilespmem:s25+$0x3120];
	v25 =	vadd.f32 v29, v25;
	v29 =	vmul.f32 v23, v23;
	v24 =	vadd.f32 v37, v24  }
0x7d: {  	v34 =	vmul.f32 v34, v34;
	v30 =	vmul.f32 v30, v30;
	v22 =	vld [tilespmem:s25+$0x30];
	v28 =	vadd.f32 v28, v27  }
0x7e: {  	v32 =	vmul.f32 v32, v32;
	v23 =	vld [tilespmem:s25+$0x3110];
	v29 =	vadd.f32 v29, v25;
	v24 =	vmin.f32 v36, v24  }
0x7f: {  	v27 =	vld [tilespmem:s26+$0x49B0];
	[tilespmem:s26+$0x4980] =	vst v24;
	vm4 =	vgt.f32 v24, v26;
	v38 =	vadd.f32 v30, v28;
	v28 =	vadd.f32 v34, v33  }
0x80: {  	s28 =	sadd.s32 $0x10, s14;
	v25 =	vld [tilespmem:s25+$0x20];
	v24 =	vsel vm4, v24, v26;
	v63 =	vsel vm4, v62, v35;
	v30 =	vmin.f32 v31, v29  }
0x81: {  	s29 =	simm.s32 $0x200;
	v26 =	vld [tilespmem:s25+$0x3100];
	v31 =	vor.u32 s28, v0;
	[tilespmem:s26+$0x4990] =	vst v30;
	vm4 =	vgt.f32 v30, v24;
	v29 =	vadd.f32 v32, v28  }
0x82: {  	s31 =	sadd.s32 $0x20, s14;
	s30 =	sadd.s32 $0x30, s14;
	s28 =	smov.u32 s14;
	v28 =	vld [tilespmem:s25+$0x0];
	v30 =	vsel vm4, v30, v24;
	v24 =	vsel vm4, v31, v63;
	v31 =	vmin.f32 v61, v38  }
.LBB2_7:
0x83: {  	p1 =	sne.s32 s29, $0x6100;
	v32 =	vld [tilespmem:s25+$0x1880];
	[tilespmem:s26+$0x49A0] =	vst v31;
	v33 =	vor.u32 s31, v0;
	vm4 =	vgt.f32 v31, v30;
	v34 =	vor.u32 s30, v0  }
0x84: {  	v35 =	vld [tilespmem:s25+$0x10];
	v30 =	vsel vm4, v31, v30;
	v24 =	vsel vm4, v33, v24;
	v27 =	vmin.f32 v27, v29  }
0x85: {  	v21 =	vsub.f32 v21, v18;
	v31 =	vsub.f32 v20, v18;
	v29 =	vld [tilespmem:s25+$0x1890];
	[tilespmem:s26+$0x49B0] =	vst v27;
	vm4 =	vgt.f32 v27, v30;
	s26 =	smov.u32 s25  }
0x86: {  	v36 =	vsub.f32 v22, v19;
	v33 =	vld [tilespmem:s26+$0x18A0];
	v30 =	vsel vm4, v27, v30;
	v24 =	vsel vm4, v34, v24  }
0x87: {  	v23 =	vsub.f32 v23, v18;
	v22 =	vsub.f32 v25, v19  }
0x88: {  	s28 =	sadd.s32 $0x40, s28;
	v25 =	vsub.f32 v28, v19;
	v27 =	vsub.f32 v32, v17;
	v28 =	vld [tilespmem:s26+$0x18B0]  }
0x89: {  	s25 =	sshra.s32 s29, $0x2;
	v26 =	vsub.f32 v26, v18;
	v32 =	vor.u32 s28, v0;
	v34 =	vsub.f32 v35, v19  }
0x8a: {  	v25 =	vmul.f32 v25, v25;
	v20 =	vld [tilespmem:s25+$0x3130];
	v27 =	vmul.f32 v27, v27;
	v29 =	vsub.f32 v29, v17  }
0x8b: {  	v37 =	vmul.f32 v21, v21;
	v26 =	vmul.f32 v26, v26;
	v35 =	vld [tilespmem:s26+$0x4980];
	v33 =	vsub.f32 v33, v17  }
0x8c: {  	v21 =	vld [tilespmem:s25+$0x3120];
	v25 =	vadd.f32 v27, v25;
	v27 =	vmul.f32 v34, v34;
	v29 =	vmul.f32 v29, v29  }
0x8d: {  	v38 =	vmul.f32 v22, v22;
	v34 =	vld [tilespmem:s26+$0x4990];
	v33 =	vmul.f32 v33, v33;
	v28 =	vsub.f32 v28, v17  }
0x8e: {  	v22 =	vld [tilespmem:s25+$0x30];
	v25 =	vadd.f32 v26, v25;
	v26 =	vadd.f32 v29, v27;
	v27 =	vmul.f32 v23, v23  }
0x8f: {  	v36 =	vmul.f32 v36, v36;
	v29 =	vadd.f32 v33, v38;
	v33 =	vld [tilespmem:s26+$0x49A0];
	v28 =	vmul.f32 v28, v28  }
.Ltmp2:
0x90: {  	v31 =	vmul.f32 v31, v31;
	v23 =	vld [tilespmem:s25+$0x3110];
	v35 =	vmin.f32 v35, v25;
	v26 =	vadd.f32 v27, v26;
	(pc) =	sbr.rel @p1 .LBB2_7-.Ltmp2, $4  }
0x91: {  	[tilespmem:s26+$0x4980] =	vst v35;
	vm4 =	vgt.f32 v35, v30;
	v37 =	vadd.f32 v37, v29;
	v28 =	vadd.f32 v28, v36;
	v27 =	vld [tilespmem:s26+$0x49B0]  }
0x92: {  	s30 =	sadd.s32 $0x10, s28;
	v25 =	vld [tilespmem:s25+$0x20];
	v30 =	vsel vm4, v35, v30;
	v24 =	vsel vm4, v32, v24;
	v32 =	vmin.f32 v34, v26  }
0x93: {  	v34 =	vor.u32 s30, v0;
	v26 =	vld [tilespmem:s25+$0x3100];
	[tilespmem:s26+$0x4990] =	vst v32;
	vm4 =	vgt.f32 v32, v30;
	v29 =	vadd.f32 v31, v28  }
0x94: {  	s31 =	sadd.s32 $0x20, s28;
	s29 =	sadd.s32 $0x100, s29;
	s30 =	sadd.s32 $0x30, s28;
	v28 =	vld [tilespmem:s25+$0x0];
	v30 =	vsel vm4, v32, v30;
	v24 =	vsel vm4, v34, v24;
	v31 =	vmin.f32 v33, v37  }
0x95: {  	v32 =	vld [tilespmem:s25+$0x1880];
	[tilespmem:s26+$0x49A0] =	vst v31  }
0x96: {  	v33 =	vld [tilespmem:s25+$0x10];
	v27 =	vmin.f32 v27, v29  }
0x97: {  	v44 =	vld [tilespmem:s25+$0x1890];
	[tilespmem:s26+$0x49B0] =	vst v27  }
0x98: {  	vm4 =	vgt.f32 v31, v30;
	v21 =	vsub.f32 v21, v18;
	v20 =	vsub.f32 v20, v18;
	v34 =	vld [tilespmem:s25+$0x18A0]  }
0x99: {  	v22 =	vsub.f32 v22, v19;
	v30 =	vsel vm4, v31, v30;
	v28 =	vsub.f32 v28, v19  }
0x9a: {  	vm5 =	vgt.f32 v27, v30;
	v25 =	vsub.f32 v25, v19;
	v46 =	vld [tilespmem:s25+$0x18B0];
	v45 =	vsub.f32 v32, v17  }
0x9b: {  	v21 =	vmul.f32 v21, v21;
	v26 =	vsub.f32 v26, v18;
	v28 =	vmul.f32 v28, v28  }
0x9c: {  	v19 =	vsub.f32 v33, v19;
	v29 =	vsub.f32 v44, v17;
	v31 =	vmul.f32 v45, v45  }
0x9d: {  	v47 =	vld [tilespmem:s25+$0x4980];
	v18 =	vsub.f32 v23, v18;
	v26 =	vmul.f32 v26, v26;
	v48 =	vsub.f32 v34, v17  }
0x9e: {  	v19 =	vmul.f32 v19, v19;
	v49 =	vmul.f32 v29, v29;
	v28 =	vadd.f32 v31, v28  }
0x9f: {  	v50 =	vld [tilespmem:s25+$0x4990];
	v25 =	vmul.f32 v25, v25;
	v18 =	vmul.f32 v18, v18;
	v17 =	vsub.f32 v46, v17  }
0xa0: {  	v51 =	vmul.f32 v48, v48;
	v19 =	vadd.f32 v49, v19;
	v26 =	vadd.f32 v26, v28  }
0xa1: {  	v22 =	vmul.f32 v22, v22;
	v27 =	vsel vm5, v27, v30;
	v53 =	vld [tilespmem:s25+$0x49A0];
	v17 =	vmul.f32 v17, v17  }
0xa2: {  	v52 =	vadd.f32 v51, v25;
	v18 =	vadd.f32 v18, v19;
	v26 =	vmin.f32 v47, v26  }
0xa3: {  	v55 =	vld [tilespmem:s25+$0x49B0];
	v19 =	vmul.f32 v20, v20;
	v17 =	vadd.f32 v17, v22;
	vm6 =	vgt.f32 v26, v27  }
0xa4: {  	v54 =	vadd.f32 v21, v52;
	v18 =	vmin.f32 v50, v18;
	v56 =	vsel vm6, v26, v27  }
0xa5: {  	vm7 =	vgt.f32 v18, v56  }
0xa6: {  	v17 =	vadd.f32 v19, v17;
	v20 =	vmin.f32 v53, v54;
	v19 =	vsel vm7, v18, v56  }
0xa7: {  	vm8 =	vgt.f32 v20, v19  }
0xa8: {  	v17 =	vmin.f32 v55, v17;
	v19 =	vsel vm8, v20, v19  }
0xa9: {  	vm9 =	vgt.f32 v17, v19  }
0xaa: {  	v19 =	vsel vm9, v17, v19  }
0xab: {  	(xrf0) =	vmax.scan.msk.f32 $0xffff, v19;
	_ =	sdelay $0x1  }
0xac: {  	v57 =	vor.u32 s31, v0  }
0xad: {  	v58 =	vor.u32 s30, v0;
	s30 =	sadd.s32 $0x40, s28;
	v21 =	vsel vm4, v57, v24  }
0xae: {  	v59 =	vor.u32 s30, v0;
	s28 =	sadd.s32 $0x10, s30;
	v21 =	vsel vm5, v58, v21  }
0xaf: {  	s31 =	sadd.s32 $0x20, s30;
	v60 =	vor.u32 s28, v0;
	v21 =	vsel vm6, v59, v21  }
0xb0: {  	s26 =	sadd.s32 $0x30, s30;
	v61 =	vor.u32 s31, v0;
	v21 =	vsel vm7, v60, v21;
	v62, _, _ =	vpop (xrf0)  }
0xb1: {  	v63 =	vor.u32 s26, v0;
	v21 =	vsel vm8, v61, v21;
	v23 =	vbroadcast v62, $0xF  }
0xb2: {  	v21 =	vsel vm9, v63, v21  }
0xb3: {  	vm4 =	veq.f32 v19, v23;
	v19 =	vxor.u32 $0x80000000, v21  }
0xb4: {  	v19 =	vnsel vm4, $0xBB9ACA00, v19  }
0xb5: {  	(xrf0) =	vmin.scan.msk.u32 $0xffff, v19;
	_ =	sdelay $0x5  }
0xb6: {  	v19, _, _ =	vpop (xrf0)  }
0xb7: {  	(v2sf) =	vpush v19, $0xF;
	_ =	sdelay $0xe  }
0xb8: {  	s28 =	spop (v2sf)  }
0xb9: {  	s26 =	sxor.u32 $0x80000000, s28  }
0xba: {  	s29 =	ssub.s32 s26, s5  }
0xbb: {  	v19 =	vmov s29  }
0xbc: {  	[tilespmem:s25+$0x4980] =	vst v26  }
0xbd: {  	[tilespmem:s25+$0x4990] =	vst v18  }
0xbe: {  	[tilespmem:s25+$0x49A0] =	vst v20  }
0xbf: {  	[tilespmem:s25+$0x49B0] =	vst v17  }
0xc0: {  	v17 =	vld.idx.msk [tilespmem:v19+s6+$0x0], $0xffff  }
0xc1: {  	v18 =	vld.idx.msk [tilespmem:v19+s16+$0x0], $0xffff  }
0xc2: {  	v19 =	vld.idx.msk [tilespmem:v19+s17+$0x0], $0xffff;
	_ =	sdelay $0x2  }
0xc3: {  	(xrf0) =	vmax.scan.msk.f32 $0xffff, v17  }
0xc4: {  	(xrf0) =	vmax.scan.msk.f32 $0xffff, v18  }
0xc5: {  	(xrf0) =	vmax.scan.msk.f32 $0xffff, v19;
	_ =	sdelay $0x3  }
0xc6: {  	v17, _, _ =	vpop (xrf0)  }
0xc7: {  	v18, _, _ =	vpop (xrf0)  }
0xc8: {  	v17 =	vbroadcast v17, $0xF;
	v19, _, _ =	vpop (xrf0);
	v18 =	vbroadcast v18, $0xF  }
0xc9: {  	v19 =	vbroadcast v19, $0xF  }
0xca: {  	v17 =	vsel vm1, v17, v18  }
0xcb: {  	s24 =	sadd.s32 $0x2, s24;
	s30 =	scvt.s32.f32 s26;
	v17 =	vsel vm2, v17, v19  }
0xcc: {  	s24 =	scvt.s32.f32 s24;
	s31 =	sand.u32 $0x1, s23;
	vm4 =	veq.s32 v0, $0x4;
	v17 =	vsel vm3, v17, v23  }
0xcd: {  	p1 =	seq.s32 s31, $0x0;
	v17 =	vsel vm4, s30, v17;
	vm4 =	veq.s32 v0, $0x5  }
0xce: {  	v17 =	vsel vm4, s24, v17;
	s24 =	sadd.s32 @!p1 s12, s4  }
0xcf: {  	s24 =	smov.u32 @p1 s18;
	p1 =	seq.s32 s23, $0x1F3  }
.Ltmp3:
0xd0: {  	_ = 	snop;
	(pc) =	sbr.rel @!p1 .LBB2_4-.Ltmp3, $4  }
0xd1: {  	_ = 	snop  }
0xd2: {  	[tilespmem:$0x6200] =	vst v17  }
0xd3: {  	[hbm4b:s24+s6] =	stream.linear.scatter [tilespmem:s19], [sflag:$0x1], $0x10, $0x38;
	[tilespmem:$0x7480] =	vst v63  }
0xd4: {  	s24 =	smov.u32 s23  }
.LBB2_9:
0xd5: {  	[tilespmem:s20], [sflag:$0x2] =	stream.linear.gather [hbm4b:s4+s6], $0x1000, $0x38;
	[tilespmem:$0x7480] =	vst v63  }
0xd6: {  	_ =	swait.ge [sflag:s15], $0x1000  }
0xd7: {  	[sflag:s15] =	ssyncset.done $0x0  }
0xd8: {  	[sflag:s15] =	ssyncadd.s32 $0xFFFFF000  }
0xd9: {  	v17 =	vld.idx.msk [tilespmem:v3+s20+$0x0], $0xffff  }
0xda: {  	v18 =	vld.idx.msk [tilespmem:v4+s20+$0x0], $0xffff;
	_ =	sdelay $0x4  }
0xdb: {  	vm4 =	veq.f32 v17, $5.000000000e+02;
	vm5 =	veq.f32 v18, $5.000000000e+02  }
0xdc: {  	vm4 =	vmand vm4, vm5  }
0xdd: {  	v17 =	vsel vm4, $0x3F800000, v5  }
0xde: {  	(xrf0) =	vmin.scan.msk.f32 $0xffff, v17;
	_ =	sdelay $0x5  }
0xdf: {  	v17, _, _ =	vpop (xrf0)  }
0xe0: {  	(v2sf) =	vpush v17, $0xF;
	_ =	sdelay $0xe  }
0xe1: {  	s23 =	spop (v2sf)  }
0xe2: {  	p1 =	sgt.f32 s23, $0.0e+00  }
.Ltmp4:
0xe3: {  	_ = 	snop;
	(pc) =	sbr.rel @!p1 .LBB2_9-.Ltmp4, $1  }
0xe4: {  	_ =	sdelay $0x3  }
0xe5: {  	_ = 	snop  }
0xe6: {  	_ =	swait.ge [sflag:s21], $0x10  }
0xe7: {  	[sflag:s21] =	ssyncset.done $0x0  }
0xe8: {  	[sflag:s21] =	ssyncadd.s32 $0xFFFFFFF0  }
0xe9: {  	v17 =	vld.idx.msk [tilespmem:v6+s20+$0x0], $0xffff  }
0xea: {  	v18 =	vld.idx.msk [tilespmem:v7+s20+$0x0], $0xffff;
	_ =	sdelay $0x4  }
0xeb: {  	v19 =	vmax.f32 v17, v18  }
0xec: {  	(xrf0) =	vmax.scan.msk.f32 $0xffff, v19  }
0xed: {  	v20 =	vld.idx.msk [tilespmem:v9+s20+$0x0], $0xffff  }
0xee: {  	v63 =	vld.idx.msk [tilespmem:v8+s20+$0x0], $0xffff;
	_ =	sdelay $0x3  }
0xef: {  	v20 =	vtrunc.f32 v20;
	v21, _, _ =	vpop (xrf0)  }
0xf0: {  	v19 =	vtrunc.f32 v63;
	v21 =	vbroadcast v21, $0xF  }
0xf1: {  	v20 =	vcvt.f32.s32 v20;
	v19 =	vcvt.f32.s32 v19  }
0xf2: {  	vm4 =	veq.f32 v17, v21;
	vm5 =	veq.f32 v18, v21  }
0xf3: {  	v17 =	vnsel vm4, $0x3B9ACA00, v19;
	v18 =	vnsel vm5, $0x3B9ACA00, v20  }
0xf4: {  	vm4 =	vlt.s32 v17, v18  }
0xf5: {  	v17 =	vsel vm4, v17, v18  }
0xf6: {  	v17 =	vxor.u32 $0x80000000, v17  }
0xf7: {  	(xrf0) =	vmin.scan.msk.u32 $0xffff, v17;
	_ =	sdelay $0x5  }
0xf8: {  	v17, _, _ =	vpop (xrf0)  }
0xf9: {  	(v2sf) =	vpush v17, $0xF;
	_ =	sdelay $0xe  }
0xfa: {  	s23 =	spop (v2sf)  }
0xfb: {  	vm4 =	veq.s32 v0, $0x3;
	s23 =	sxor.u32 $0x80000000, s23  }
0xfc: {  	[tilespmem:$0x6200] =	vst v15;
	v16 =	vsel vm4, s23, v16  }
0xfd: {  	[tilespmem:$0x7470] =	vst v16  }
0xfe: {  	[hbm4b:s18+s6] =	stream.linear.scatter [tilespmem:s19], [sflag:$0x1], $0x10, $0x38;
	[tilespmem:$0x7480] =	vst v63  }
0xff: {  	_ =	swait.ge [sflag:s21], $0x10  }
0x100: {  	s24 =	simm.s32 @!p0 $0x7280;
	s22 =	sadd.s32 $0x1, s22;
	[sflag:s21] =	ssyncset.done $0x0  }
0x101: {  	p1 =	sne.s32 s22, s13;
	s23 =	simm.s32 @!p0 $0x0;
	[sflag:s21] =	ssyncadd.s32 $0xFFFFFFF0  }
0x102: {  	[hbm4b:s1+s23] =	stream.linear.scatter @!p0 [tilespmem:s24], [sflag:$0x2], $0x200, $0x38;
	[tilespmem:$0x7480] =	vst v63  }
.Ltmp5:
0x103: {  	_ = 	snop;
	(pc) =	sbr.rel @p1 .LBB2_1-.Ltmp5, $4  }
0x104: {  	s23 =	simm.s32 @!p0 $0x2  }
0x105: {  	_ =	swait.ge @!p0 [sflag:s23], $0x200  }
0x106: {  	[sflag:s23] =	ssyncset.done @!p0 $0x0  }
0x107: {  	[sflag:s23] =	ssyncadd.s32 @!p0 $0xFFFFFE00  }
0x108: {  	_ =	sfence.sel $0x180000  }
0x109: {  	[bflag:$0x0] =	sbarrier.arrive $0xFFFF  }
0x10a: {  	p0 =	sne.s32 s0, $0x0;
	_ =	strace $0x90000047  }
0x10b: {  	s0 =	sadd.s32 @!p0 $0x100000, s2;
	[bflag:$0x2] =	sbarrier.arrive $0xFFFF  }
0x10c: {  	[sflag:s0] =	ssyncadd.tile.s32 @!p0 $0x1;
	_ =	shalt  }
.Lfunc_end2:
_tile_overlayer_lowered:
.L_overlay_start_2:
0x10d: {  	(tag) =	ssettag $0x2  }
0x10e: {  	s0 =	rddreg [dreg:$0x0];
	s2 =	stileid.u32  }
0x10f: {  	s1 =	rddreg [dreg:$0x1];
	p0 =	sne.s32 s2, $0x0  }
0x110: {  	s3 =	rddreg [dreg:$0x2];
	[bflag:$0x3] =	sbarrier.arrive $0xFFFF;
	s2 =	simm.s32 @!p0 $0x1C02  }
0x111: {  	[timem:s3], [sflag:s2] =	dma.local @!p0 [hbm:s0], s1  }
0x112: {  	s0 =	simm.s32 @!p0 $0x2  }
0x113: {  	_ =	swait.ge @!p0 [sflag:s0], s1  }
0x114: {  	s1 =	ssub.s32 @!p0 $0x0, s1;
	[sflag:s0] =	ssyncset.done @!p0 $0x0  }
0x115: {  	[sflag:s0] =	ssyncadd.s32 @!p0 s1  }
0x116: {  	[bflag:$0x3] =	sbarrier.arrive $0xFFFF  }
0x117: {  	_ =	shalt  }

</sc_bundles>
